<compile_context>
chip_gen: v7x
topology: tpu7x:2x2x1
jax: 0.10.2.dev20260603
libtpu: 0.0.44.dev20260713+nightly
codegen_flags: <defaults>
</compile_context>

<pallas_src>
import jax
import jax.numpy as jnp
from jax import lax
from jax.experimental import pallas as pl
from jax.experimental.pallas import tpu as pltpu
from jax.experimental.pallas import tpu_sc as plsc

NC = 2
NS = 16
L = 16
UNROLL = 2
TC_ROWS = 24


def _tree_sum(vals):
    while len(vals) > 1:
        nxt = [vals[i] + vals[i + 1] for i in range(0, len(vals) - 1, 2)]
        if len(vals) % 2:
            nxt.append(vals[-1])
        vals = nxt
    return vals[0]


def _make_sc_body(V, B_SC, B_TC):
    NW = NC * NS
    BW = B_SC // NW
    PW = B_TC // NW

    def body(votes_hbm, out_hbm, p2_hbm, chunk_v, out_v, p2chunk_v, p2out_v,
             sem_a, sem_b):
        wid = lax.axis_index("s") * NC + lax.axis_index("c")
        base = wid * BW
        pbase = wid * PW

        cp_a = pltpu.async_copy(
            votes_hbm.at[:, pl.ds(base, BW)], chunk_v, sem_a)
        cp_b = pltpu.async_copy(
            votes_hbm.at[pl.ds(TC_ROWS, V - TC_ROWS),
                         pl.ds(B_SC + pbase, PW)],
            p2chunk_v, sem_b)

        cp_a.wait()

        def group_body(g, carry):
            for u in range(UNROLL):
                sl = pl.ds((g * UNROLL + u) * L, L)
                cnt = _tree_sum([chunk_v[v, sl] for v in range(V)])
                out_v[sl] = jnp.where(cnt + cnt > V, 1, 0).astype(jnp.int32)
            return carry

        lax.fori_loop(0, BW // (L * UNROLL), group_body, 0)
        out_cp = pltpu.async_copy(out_v, out_hbm.at[pl.ds(base, BW)], sem_a)

        cp_b.wait()

        def p2_body(g, carry):
            for u in range(UNROLL):
                sl = pl.ds((g * UNROLL + u) * L, L)
                p2out_v[sl] = _tree_sum(
                    [p2chunk_v[v, sl] for v in range(V - TC_ROWS)])
            return carry

        lax.fori_loop(0, PW // (L * UNROLL), p2_body, 0)
        out_cp.wait()
        pltpu.sync_copy(p2out_v, p2_hbm.at[pl.ds(B_SC + pbase, PW)])

    return body


def _tc_body(votes_ref, out_ref):
    out_ref[...] = jnp.sum(votes_ref[...], axis=0)


def kernel(votes, vote_weights):
    V, B = votes.shape
    del vote_weights
    B_SC = B // 8
    B_TC = B - B_SC
    NB = 32768
    NW = NC * NS
    BW = B_SC // NW
    PW = B_TC // NW
    SC_BLOCKS = B_SC // NB

    sc_fn = pl.kernel(
        _make_sc_body(V, B_SC, B_TC),
        out_type=(
            jax.ShapeDtypeStruct((B_SC,), jnp.int32),
            jax.ShapeDtypeStruct((B,), jnp.int32),
        ),
        mesh=plsc.VectorSubcoreMesh(
            core_axis_name="c", subcore_axis_name="s",
            num_cores=NC, num_subcores=NS,
        ),
        scratch_types=[
            pltpu.VMEM((V, BW), jnp.int32),
            pltpu.VMEM((BW,), jnp.int32),
            pltpu.VMEM((V - TC_ROWS, PW), jnp.int32),
            pltpu.VMEM((PW,), jnp.int32),
            pltpu.SemaphoreType.DMA,
            pltpu.SemaphoreType.DMA,
        ],
    )
    out_sc, p2 = sc_fn(votes)

    counts24 = pl.pallas_call(
        _tc_body,
        grid=(B_TC // NB,),
        in_specs=[
            pl.BlockSpec((TC_ROWS, NB), lambda i: (0, i + SC_BLOCKS)),
        ],
        out_specs=pl.BlockSpec((NB,), lambda i: (i + SC_BLOCKS,)),
        out_shape=jax.ShapeDtypeStruct((B,), jnp.int32),
    )(votes)

    cnt = counts24 + p2
    out_full = jnp.where(cnt + cnt > V, 1, 0).astype(jnp.int32)
    return lax.dynamic_update_slice(out_full, out_sc, (0,))

# --- scband reference (transcript-rebuilt; emitter-appended) ---
"""Pipeline reference for scband-hard-binary-vote-83399674954424 (READ-ONLY COPY).

The authoritative reference and input builder live on the scoring server;
editing this copy changes nothing except your own understanding.
"""

import jax, jax.numpy as jnp
import numpy as np

V = 26
B = 262144
NUM_CLASSES = 2


def setup_inputs(seed: int = 0) -> dict:
    key = jax.random.key(seed)
    k1, k2 = jax.random.split(key)
    votes = jax.random.randint(k1, (V, B), 0, 2, dtype=jnp.int32)
    vote_weights = jnp.ones((V,), dtype=jnp.float32)
    return {"votes": votes, "vote_weights": vote_weights}


def reference(votes, vote_weights):
    # Original: inputs = transpose(inputs); map_fn over samples of
    #   argmax(bincount(z, weights=vote_weights)) cast to int32.
    # Vectorized faithful translation: weighted per-class counts via one-hot
    # (equivalent to tf.math.bincount with weights aligned to voters), then argmax.
    z = jnp.transpose(votes)  # [B, V], each row = one sample's votes
    oh = jax.nn.one_hot(z, NUM_CLASSES, dtype=jnp.float32)  # [B, V, C]
    counts = jnp.einsum('bvc,v->bc', oh, vote_weights)  # weighted bincount per sample
    return jnp.argmax(counts, axis=-1).astype(jnp.int32)

if __name__ == "__main__":
    import jax
    _d = setup_inputs()
    print(jax.jit(kernel)(*tuple(_d.values())))

</pallas_src>

<mosaic_0001>
#map = affine_map<(d0, d1) -> (0, 0)>
#map1 = affine_map<(d0, d1) -> (0)>
module attributes {stable_mosaic.version = 14 : i64} {
  func.func @body(%arg0: i32, %arg1: i32, %arg2: memref<26x262144xi32, #tpu.memory_space<hbm>>, %arg3: memref<32768xi32, #tpu.memory_space<hbm>>, %arg4: memref<262144xi32, #tpu.memory_space<hbm>>, %arg5: memref<26x1024xi32, #tpu.memory_space<vmem>>, %arg6: memref<1024xi32, #tpu.memory_space<vmem>>, %arg7: memref<2x7168xi32, #tpu.memory_space<vmem>>, %arg8: memref<7168xi32, #tpu.memory_space<vmem>>, %arg9: memref<!tpu.dma_semaphore, #tpu.memory_space<semaphore_mem>>, %arg10: memref<!tpu.dma_semaphore, #tpu.memory_space<semaphore_mem>>) attributes {dimension_semantics = [#tpu.dimension_semantics<core_parallel>, #tpu.dimension_semantics<subcore_parallel>], iteration_bounds = array<i64: 2, 16>, scalar_prefetch = 0 : i64, scratch_operands = 6 : i64, tpu.core_type = #tpu.core_type<sc_vector_subcore>, window_params = [{transform_indices = #map}, {transform_indices = #map1}, {transform_indices = #map1}]} {
    %mul3A = arith.constant 2 : i32
    %mul3A_0 = arith.muli %arg1, %mul3A : i32
    %add3A = arith.addi %mul3A_0, %arg0 : i32
    %mul3A_1 = arith.constant 1024 : i32
    %mul3A_2 = arith.muli %add3A, %mul3A_1 : i32
    %mul3A_3 = arith.constant 7168 : i32
    %mul3A_4 = arith.muli %add3A, %mul3A_3 : i32
    %dma_start3A = arith.constant 0 : i32
    %dma_start3A_5 = tpu.memref_slice %arg2[%dma_start3A, %mul3A_2] : memref<26x262144xi32, #tpu.memory_space<hbm>> -> memref<26x1024xi32, #tpu.memory_space<hbm>>
    %dma_start3A_6 = arith.constant 0 : i32
    %dma_start3A_7 = tpu.memref_slice %arg2[%dma_start3A_6, %mul3A_2] : memref<26x262144xi32, #tpu.memory_space<hbm>> -> memref<26x1024xi32, #tpu.memory_space<hbm>>
    tpu.enqueue_dma source(%dma_start3A_7 : memref<26x1024xi32, #tpu.memory_space<hbm>>) target(%arg5 : memref<26x1024xi32, #tpu.memory_space<vmem>>) target_semaphore(%arg9 : memref<!tpu.dma_semaphore, #tpu.memory_space<semaphore_mem>>)
    %add3A_8 = arith.constant 32768 : i32
    %add3A_9 = arith.addi %add3A_8, %mul3A_4 : i32
    %dma_start3A_10 = arith.constant 24 : i32
    %dma_start3A_11 = tpu.memref_slice %arg2[%dma_start3A_10, %add3A_9] : memref<26x262144xi32, #tpu.memory_space<hbm>> -> memref<2x7168xi32, #tpu.memory_space<hbm>>
    %dma_start3A_12 = arith.constant 24 : i32
    %dma_start3A_13 = tpu.memref_slice %arg2[%dma_start3A_12, %add3A_9] : memref<26x262144xi32, #tpu.memory_space<hbm>> -> memref<2x7168xi32, #tpu.memory_space<hbm>>
    tpu.enqueue_dma source(%dma_start3A_13 : memref<2x7168xi32, #tpu.memory_space<hbm>>) target(%arg7 : memref<2x7168xi32, #tpu.memory_space<vmem>>) target_semaphore(%arg10 : memref<!tpu.dma_semaphore, #tpu.memory_space<semaphore_mem>>)
    %dma_wait3A = arith.constant 0 : i32
    %dma_wait3A_14 = tpu.memref_slice %arg2[%dma_wait3A, %mul3A_2] : memref<26x262144xi32, #tpu.memory_space<hbm>> -> memref<26x1024xi32, #tpu.memory_space<hbm>>
    %dma_wait3A_15 = arith.constant 0 : i32
    %dma_wait3A_16 = tpu.memref_slice %arg2[%dma_wait3A_15, %mul3A_2] : memref<26x262144xi32, #tpu.memory_space<hbm>> -> memref<26x1024xi32, #tpu.memory_space<hbm>>
    tpu.wait_dma2 semaphore(%arg9 : memref<!tpu.dma_semaphore, #tpu.memory_space<semaphore_mem>>) src(%dma_wait3A_16 : memref<26x1024xi32, #tpu.memory_space<hbm>>) dst(%arg5 : memref<26x1024xi32, #tpu.memory_space<vmem>>)
    %scan3A = arith.constant 0 : i32
    %scan3A_17 = arith.constant 0 : i32
    %scan3A_18 = arith.constant 32 : i32
    %scan3A_19 = arith.addi %scan3A_17, %scan3A_18 : i32
    %scan3A_20 = arith.constant 1 : i32
    scf.for %scan3A_38 = %scan3A_17 to %scan3A_19 step %scan3A_20  : i32 {
      %mul3A_39 = arith.constant 2 : i32
      %mul3A_40 = arith.muli %scan3A_38, %mul3A_39 : i32
      %add3A_41 = arith.constant 0 : i32
      %add3A_42 = arith.addi %mul3A_40, %add3A_41 : i32
      %mul3A_43 = arith.constant 16 : i32
      %mul3A_44 = arith.muli %add3A_42, %mul3A_43 : i32
      %get3A = arith.constant 0 : i32
      %get3A_45 = arith.index_cast %get3A : i32 to index
      %get3A_46 = arith.index_cast %mul3A_44 : i32 to index
      %get3A_47 = tpu.vector_load %arg5[%get3A_45, %get3A_46] {strides = array<i32>} : memref<26x1024xi32, #tpu.memory_space<vmem>>, vector<1x16xi32>,
      %get3A_48 = vector.shape_cast %get3A_47 : vector<1x16xi32> to vector<16xi32>
      %get3A_49 = arith.constant 1 : i32
      %get3A_50 = arith.index_cast %get3A_49 : i32 to index
      %get3A_51 = arith.index_cast %mul3A_44 : i32 to index
      %get3A_52 = tpu.vector_load %arg5[%get3A_50, %get3A_51] {strides = array<i32>} : memref<26x1024xi32, #tpu.memory_space<vmem>>, vector<1x16xi32>,
      %get3A_53 = vector.shape_cast %get3A_52 : vector<1x16xi32> to vector<16xi32>
      %get3A_54 = arith.constant 2 : i32
      %get3A_55 = arith.index_cast %get3A_54 : i32 to index
      %get3A_56 = arith.index_cast %mul3A_44 : i32 to index
      %get3A_57 = tpu.vector_load %arg5[%get3A_55, %get3A_56] {strides = array<i32>} : memref<26x1024xi32, #tpu.memory_space<vmem>>, vector<1x16xi32>,
      %get3A_58 = vector.shape_cast %get3A_57 : vector<1x16xi32> to vector<16xi32>
      %get3A_59 = arith.constant 3 : i32
      %get3A_60 = arith.index_cast %get3A_59 : i32 to index
      %get3A_61 = arith.index_cast %mul3A_44 : i32 to index
      %get3A_62 = tpu.vector_load %arg5[%get3A_60, %get3A_61] {strides = array<i32>} : memref<26x1024xi32, #tpu.memory_space<vmem>>, vector<1x16xi32>,
      %get3A_63 = vector.shape_cast %get3A_62 : vector<1x16xi32> to vector<16xi32>
      %get3A_64 = arith.constant 4 : i32
      %get3A_65 = arith.index_cast %get3A_64 : i32 to index
      %get3A_66 = arith.index_cast %mul3A_44 : i32 to index
      %get3A_67 = tpu.vector_load %arg5[%get3A_65, %get3A_66] {strides = array<i32>} : memref<26x1024xi32, #tpu.memory_space<vmem>>, vector<1x16xi32>,
      %get3A_68 = vector.shape_cast %get3A_67 : vector<1x16xi32> to vector<16xi32>
      %get3A_69 = arith.constant 5 : i32
      %get3A_70 = arith.index_cast %get3A_69 : i32 to index
      %get3A_71 = arith.index_cast %mul3A_44 : i32 to index
      %get3A_72 = tpu.vector_load %arg5[%get3A_70, %get3A_71] {strides = array<i32>} : memref<26x1024xi32, #tpu.memory_space<vmem>>, vector<1x16xi32>,
      %get3A_73 = vector.shape_cast %get3A_72 : vector<1x16xi32> to vector<16xi32>
      %get3A_74 = arith.constant 6 : i32
      %get3A_75 = arith.index_cast %get3A_74 : i32 to index
      %get3A_76 = arith.index_cast %mul3A_44 : i32 to index
      %get3A_77 = tpu.vector_load %arg5[%get3A_75, %get3A_76] {strides = array<i32>} : memref<26x1024xi32, #tpu.memory_space<vmem>>, vector<1x16xi32>,
      %get3A_78 = vector.shape_cast %get3A_77 : vector<1x16xi32> to vector<16xi32>
      %get3A_79 = arith.constant 7 : i32
      %get3A_80 = arith.index_cast %get3A_79 : i32 to index
      %get3A_81 = arith.index_cast %mul3A_44 : i32 to index
      %get3A_82 = tpu.vector_load %arg5[%get3A_80, %get3A_81] {strides = array<i32>} : memref<26x1024xi32, #tpu.memory_space<vmem>>, vector<1x16xi32>,
      %get3A_83 = vector.shape_cast %get3A_82 : vector<1x16xi32> to vector<16xi32>
      %get3A_84 = arith.constant 8 : i32
      %get3A_85 = arith.index_cast %get3A_84 : i32 to index
      %get3A_86 = arith.index_cast %mul3A_44 : i32 to index
      %get3A_87 = tpu.vector_load %arg5[%get3A_85, %get3A_86] {strides = array<i32>} : memref<26x1024xi32, #tpu.memory_space<vmem>>, vector<1x16xi32>,
      %get3A_88 = vector.shape_cast %get3A_87 : vector<1x16xi32> to vector<16xi32>
      %get3A_89 = arith.constant 9 : i32
      %get3A_90 = arith.index_cast %get3A_89 : i32 to index
      %get3A_91 = arith.index_cast %mul3A_44 : i32 to index
      %get3A_92 = tpu.vector_load %arg5[%get3A_90, %get3A_91] {strides = array<i32>} : memref<26x1024xi32, #tpu.memory_space<vmem>>, vector<1x16xi32>,
      %get3A_93 = vector.shape_cast %get3A_92 : vector<1x16xi32> to vector<16xi32>
      %get3A_94 = arith.constant 10 : i32
      %get3A_95 = arith.index_cast %get3A_94 : i32 to index
      %get3A_96 = arith.index_cast %mul3A_44 : i32 to index
      %get3A_97 = tpu.vector_load %arg5[%get3A_95, %get3A_96] {strides = array<i32>} : memref<26x1024xi32, #tpu.memory_space<vmem>>, vector<1x16xi32>,
      %get3A_98 = vector.shape_cast %get3A_97 : vector<1x16xi32> to vector<16xi32>
      %get3A_99 = arith.constant 11 : i32
      %get3A_100 = arith.index_cast %get3A_99 : i32 to index
      %get3A_101 = arith.index_cast %mul3A_44 : i32 to index
      %get3A_102 = tpu.vector_load %arg5[%get3A_100, %get3A_101] {strides = array<i32>} : memref<26x1024xi32, #tpu.memory_space<vmem>>, vector<1x16xi32>,
      %get3A_103 = vector.shape_cast %get3A_102 : vector<1x16xi32> to vector<16xi32>
      %get3A_104 = arith.constant 12 : i32
      %get3A_105 = arith.index_cast %get3A_104 : i32 to index
      %get3A_106 = arith.index_cast %mul3A_44 : i32 to index
      %get3A_107 = tpu.vector_load %arg5[%get3A_105, %get3A_106] {strides = array<i32>} : memref<26x1024xi32, #tpu.memory_space<vmem>>, vector<1x16xi32>,
      %get3A_108 = vector.shape_cast %get3A_107 : vector<1x16xi32> to vector<16xi32>
      %get3A_109 = arith.constant 13 : i32
      %get3A_110 = arith.index_cast %get3A_109 : i32 to index
      %get3A_111 = arith.index_cast %mul3A_44 : i32 to index
      %get3A_112 = tpu.vector_load %arg5[%get3A_110, %get3A_111] {strides = array<i32>} : memref<26x1024xi32, #tpu.memory_space<vmem>>, vector<1x16xi32>,
      %get3A_113 = vector.shape_cast %get3A_112 : vector<1x16xi32> to vector<16xi32>
      %get3A_114 = arith.constant 14 : i32
      %get3A_115 = arith.index_cast %get3A_114 : i32 to index
      %get3A_116 = arith.index_cast %mul3A_44 : i32 to index
      %get3A_117 = tpu.vector_load %arg5[%get3A_115, %get3A_116] {strides = array<i32>} : memref<26x1024xi32, #tpu.memory_space<vmem>>, vector<1x16xi32>,
      %get3A_118 = vector.shape_cast %get3A_117 : vector<1x16xi32> to vector<16xi32>
      %get3A_119 = arith.constant 15 : i32
      %get3A_120 = arith.index_cast %get3A_119 : i32 to index
      %get3A_121 = arith.index_cast %mul3A_44 : i32 to index
      %get3A_122 = tpu.vector_load %arg5[%get3A_120, %get3A_121] {strides = array<i32>} : memref<26x1024xi32, #tpu.memory_space<vmem>>, vector<1x16xi32>,
      %get3A_123 = vector.shape_cast %get3A_122 : vector<1x16xi32> to vector<16xi32>
      %get3A_124 = arith.constant 16 : i32
      %get3A_125 = arith.index_cast %get3A_124 : i32 to index
      %get3A_126 = arith.index_cast %mul3A_44 : i32 to index
      %get3A_127 = tpu.vector_load %arg5[%get3A_125, %get3A_126] {strides = array<i32>} : memref<26x1024xi32, #tpu.memory_space<vmem>>, vector<1x16xi32>,
      %get3A_128 = vector.shape_cast %get3A_127 : vector<1x16xi32> to vector<16xi32>
      %get3A_129 = arith.constant 17 : i32
      %get3A_130 = arith.index_cast %get3A_129 : i32 to index
      %get3A_131 = arith.index_cast %mul3A_44 : i32 to index
      %get3A_132 = tpu.vector_load %arg5[%get3A_130, %get3A_131] {strides = array<i32>} : memref<26x1024xi32, #tpu.memory_space<vmem>>, vector<1x16xi32>,
      %get3A_133 = vector.shape_cast %get3A_132 : vector<1x16xi32> to vector<16xi32>
      %get3A_134 = arith.constant 18 : i32
      %get3A_135 = arith.index_cast %get3A_134 : i32 to index
      %get3A_136 = arith.index_cast %mul3A_44 : i32 to index
      %get3A_137 = tpu.vector_load %arg5[%get3A_135, %get3A_136] {strides = array<i32>} : memref<26x1024xi32, #tpu.memory_space<vmem>>, vector<1x16xi32>,
      %get3A_138 = vector.shape_cast %get3A_137 : vector<1x16xi32> to vector<16xi32>
      %get3A_139 = arith.constant 19 : i32
      %get3A_140 = arith.index_cast %get3A_139 : i32 to index
      %get3A_141 = arith.index_cast %mul3A_44 : i32 to index
      %get3A_142 = tpu.vector_load %arg5[%get3A_140, %get3A_141] {strides = array<i32>} : memref<26x1024xi32, #tpu.memory_space<vmem>>, vector<1x16xi32>,
      %get3A_143 = vector.shape_cast %get3A_142 : vector<1x16xi32> to vector<16xi32>
      %get3A_144 = arith.constant 20 : i32
      %get3A_145 = arith.index_cast %get3A_144 : i32 to index
      %get3A_146 = arith.index_cast %mul3A_44 : i32 to index
      %get3A_147 = tpu.vector_load %arg5[%get3A_145, %get3A_146] {strides = array<i32>} : memref<26x1024xi32, #tpu.memory_space<vmem>>, vector<1x16xi32>,
      %get3A_148 = vector.shape_cast %get3A_147 : vector<1x16xi32> to vector<16xi32>
      %get3A_149 = arith.constant 21 : i32
      %get3A_150 = arith.index_cast %get3A_149 : i32 to index
      %get3A_151 = arith.index_cast %mul3A_44 : i32 to index
      %get3A_152 = tpu.vector_load %arg5[%get3A_150, %get3A_151] {strides = array<i32>} : memref<26x1024xi32, #tpu.memory_space<vmem>>, vector<1x16xi32>,
      %get3A_153 = vector.shape_cast %get3A_152 : vector<1x16xi32> to vector<16xi32>
      %get3A_154 = arith.constant 22 : i32
      %get3A_155 = arith.index_cast %get3A_154 : i32 to index
      %get3A_156 = arith.index_cast %mul3A_44 : i32 to index
      %get3A_157 = tpu.vector_load %arg5[%get3A_155, %get3A_156] {strides = array<i32>} : memref<26x1024xi32, #tpu.memory_space<vmem>>, vector<1x16xi32>,
      %get3A_158 = vector.shape_cast %get3A_157 : vector<1x16xi32> to vector<16xi32>
      %get3A_159 = arith.constant 23 : i32
      %get3A_160 = arith.index_cast %get3A_159 : i32 to index
      %get3A_161 = arith.index_cast %mul3A_44 : i32 to index
      %get3A_162 = tpu.vector_load %arg5[%get3A_160, %get3A_161] {strides = array<i32>} : memref<26x1024xi32, #tpu.memory_space<vmem>>, vector<1x16xi32>,
      %get3A_163 = vector.shape_cast %get3A_162 : vector<1x16xi32> to vector<16xi32>
      %get3A_164 = arith.constant 24 : i32
      %get3A_165 = arith.index_cast %get3A_164 : i32 to index
      %get3A_166 = arith.index_cast %mul3A_44 : i32 to index
      %get3A_167 = tpu.vector_load %arg5[%get3A_165, %get3A_166] {strides = array<i32>} : memref<26x1024xi32, #tpu.memory_space<vmem>>, vector<1x16xi32>,
      %get3A_168 = vector.shape_cast %get3A_167 : vector<1x16xi32> to vector<16xi32>
      %get3A_169 = arith.constant 25 : i32
      %get3A_170 = arith.index_cast %get3A_169 : i32 to index
      %get3A_171 = arith.index_cast %mul3A_44 : i32 to index
      %get3A_172 = tpu.vector_load %arg5[%get3A_170, %get3A_171] {strides = array<i32>} : memref<26x1024xi32, #tpu.memory_space<vmem>>, vector<1x16xi32>,
      %get3A_173 = vector.shape_cast %get3A_172 : vector<1x16xi32> to vector<16xi32>
      %add3A_174 = arith.addi %get3A_48, %get3A_53 : vector<16xi32>
      %add3A_175 = arith.addi %get3A_58, %get3A_63 : vector<16xi32>
      %add3A_176 = arith.addi %get3A_68, %get3A_73 : vector<16xi32>
      %add3A_177 = arith.addi %get3A_78, %get3A_83 : vector<16xi32>
      %add3A_178 = arith.addi %get3A_88, %get3A_93 : vector<16xi32>
      %add3A_179 = arith.addi %get3A_98, %get3A_103 : vector<16xi32>
      %add3A_180 = arith.addi %get3A_108, %get3A_113 : vector<16xi32>
      %add3A_181 = arith.addi %get3A_118, %get3A_123 : vector<16xi32>
      %add3A_182 = arith.addi %get3A_128, %get3A_133 : vector<16xi32>
      %add3A_183 = arith.addi %get3A_138, %get3A_143 : vector<16xi32>
      %add3A_184 = arith.addi %get3A_148, %get3A_153 : vector<16xi32>
      %add3A_185 = arith.addi %get3A_158, %get3A_163 : vector<16xi32>
      %add3A_186 = arith.addi %get3A_168, %get3A_173 : vector<16xi32>
      %add3A_187 = arith.addi %add3A_174, %add3A_175 : vector<16xi32>
      %add3A_188 = arith.addi %add3A_176, %add3A_177 : vector<16xi32>
      %add3A_189 = arith.addi %add3A_178, %add3A_179 : vector<16xi32>
      %add3A_190 = arith.addi %add3A_180, %add3A_181 : vector<16xi32>
      %add3A_191 = arith.addi %add3A_182, %add3A_183 : vector<16xi32>
      %add3A_192 = arith.addi %add3A_184, %add3A_185 : vector<16xi32>
      %add3A_193 = arith.addi %add3A_187, %add3A_188 : vector<16xi32>
      %add3A_194 = arith.addi %add3A_189, %add3A_190 : vector<16xi32>
      %add3A_195 = arith.addi %add3A_191, %add3A_192 : vector<16xi32>
      %add3A_196 = arith.addi %add3A_193, %add3A_194 : vector<16xi32>
      %add3A_197 = arith.addi %add3A_195, %add3A_186 : vector<16xi32>
      %add3A_198 = arith.addi %add3A_196, %add3A_197 : vector<16xi32>
      %add3A_199 = arith.addi %add3A_198, %add3A_198 : vector<16xi32>
      %gt3A = arith.constant 26 : i32
      %gt3A_200 = vector.broadcast %gt3A : i32 to vector<16xi32>
      %gt3A_201 = arith.cmpi sgt, %add3A_199, %gt3A_200 : vector<16xi32>
      %jit3A = arith.constant 1 : i32
      %jit3A_202 = arith.constant 0 : i32
      %broadcast_in_dim3A = vector.broadcast %jit3A : i32 to vector<16xi32>
      %broadcast_in_dim3A_203 = vector.broadcast %jit3A_202 : i32 to vector<16xi32>
      %select_n3A = arith.select %gt3A_201, %broadcast_in_dim3A, %broadcast_in_dim3A_203 : vector<16xi1>, vector<16xi32>
      %swap3A = arith.index_cast %mul3A_44 : i32 to index
      %swap3A_204 = tpu.vector_load %arg6[%swap3A] {strides = array<i32>} : memref<1024xi32, #tpu.memory_space<vmem>>, vector<16xi32>,
      %swap3A_205 = vector.shape_cast %swap3A_204 : vector<16xi32> to vector<16xi32>
      %swap3A_206 = vector.shape_cast %select_n3A : vector<16xi32> to vector<16xi32>
      tpu.vector_store %arg6[%swap3A], %swap3A_206 {strides = array<i32>} : memref<1024xi32, #tpu.memory_space<vmem>>, vector<16xi32>,
      %mul3A_207 = arith.constant 2 : i32
      %mul3A_208 = arith.muli %scan3A_38, %mul3A_207 : i32
      %add3A_209 = arith.constant 1 : i32
      %add3A_210 = arith.addi %mul3A_208, %add3A_209 : i32
      %mul3A_211 = arith.constant 16 : i32
      %mul3A_212 = arith.muli %add3A_210, %mul3A_211 : i32
      %get3A_213 = arith.constant 0 : i32
      %get3A_214 = arith.index_cast %get3A_213 : i32 to index
      %get3A_215 = arith.index_cast %mul3A_212 : i32 to index
      %get3A_216 = tpu.vector_load %arg5[%get3A_214, %get3A_215] {strides = array<i32>} : memref<26x1024xi32, #tpu.memory_space<vmem>>, vector<1x16xi32>,
      %get3A_217 = vector.shape_cast %get3A_216 : vector<1x16xi32> to vector<16xi32>
      %get3A_218 = arith.constant 1 : i32
      %get3A_219 = arith.index_cast %get3A_218 : i32 to index
      %get3A_220 = arith.index_cast %mul3A_212 : i32 to index
      %get3A_221 = tpu.vector_load %arg5[%get3A_219, %get3A_220] {strides = array<i32>} : memref<26x1024xi32, #tpu.memory_space<vmem>>, vector<1x16xi32>,
      %get3A_222 = vector.shape_cast %get3A_221 : vector<1x16xi32> to vector<16xi32>
      %get3A_223 = arith.constant 2 : i32
      %get3A_224 = arith.index_cast %get3A_223 : i32 to index
      %get3A_225 = arith.index_cast %mul3A_212 : i32 to index
      %get3A_226 = tpu.vector_load %arg5[%get3A_224, %get3A_225] {strides = array<i32>} : memref<26x1024xi32, #tpu.memory_space<vmem>>, vector<1x16xi32>,
      %get3A_227 = vector.shape_cast %get3A_226 : vector<1x16xi32> to vector<16xi32>
      %get3A_228 = arith.constant 3 : i32
      %get3A_229 = arith.index_cast %get3A_228 : i32 to index
      %get3A_230 = arith.index_cast %mul3A_212 : i32 to index
      %get3A_231 = tpu.vector_load %arg5[%get3A_229, %get3A_230] {strides = array<i32>} : memref<26x1024xi32, #tpu.memory_space<vmem>>, vector<1x16xi32>,
      %get3A_232 = vector.shape_cast %get3A_231 : vector<1x16xi32> to vector<16xi32>
      %get3A_233 = arith.constant 4 : i32
      %get3A_234 = arith.index_cast %get3A_233 : i32 to index
      %get3A_235 = arith.index_cast %mul3A_212 : i32 to index
      %get3A_236 = tpu.vector_load %arg5[%get3A_234, %get3A_235] {strides = array<i32>} : memref<26x1024xi32, #tpu.memory_space<vmem>>, vector<1x16xi32>,
      %get3A_237 = vector.shape_cast %get3A_236 : vector<1x16xi32> to vector<16xi32>
      %get3A_238 = arith.constant 5 : i32
      %get3A_239 = arith.index_cast %get3A_238 : i32 to index
      %get3A_240 = arith.index_cast %mul3A_212 : i32 to index
      %get3A_241 = tpu.vector_load %arg5[%get3A_239, %get3A_240] {strides = array<i32>} : memref<26x1024xi32, #tpu.memory_space<vmem>>, vector<1x16xi32>,
      %get3A_242 = vector.shape_cast %get3A_241 : vector<1x16xi32> to vector<16xi32>
      %get3A_243 = arith.constant 6 : i32
      %get3A_244 = arith.index_cast %get3A_243 : i32 to index
      %get3A_245 = arith.index_cast %mul3A_212 : i32 to index
      %get3A_246 = tpu.vector_load %arg5[%get3A_244, %get3A_245] {strides = array<i32>} : memref<26x1024xi32, #tpu.memory_space<vmem>>, vector<1x16xi32>,
      %get3A_247 = vector.shape_cast %get3A_246 : vector<1x16xi32> to vector<16xi32>
      %get3A_248 = arith.constant 7 : i32
      %get3A_249 = arith.index_cast %get3A_248 : i32 to index
      %get3A_250 = arith.index_cast %mul3A_212 : i32 to index
      %get3A_251 = tpu.vector_load %arg5[%get3A_249, %get3A_250] {strides = array<i32>} : memref<26x1024xi32, #tpu.memory_space<vmem>>, vector<1x16xi32>,
      %get3A_252 = vector.shape_cast %get3A_251 : vector<1x16xi32> to vector<16xi32>
      %get3A_253 = arith.constant 8 : i32
      %get3A_254 = arith.index_cast %get3A_253 : i32 to index
      %get3A_255 = arith.index_cast %mul3A_212 : i32 to index
      %get3A_256 = tpu.vector_load %arg5[%get3A_254, %get3A_255] {strides = array<i32>} : memref<26x1024xi32, #tpu.memory_space<vmem>>, vector<1x16xi32>,
      %get3A_257 = vector.shape_cast %get3A_256 : vector<1x16xi32> to vector<16xi32>
      %get3A_258 = arith.constant 9 : i32
      %get3A_259 = arith.index_cast %get3A_258 : i32 to index
      %get3A_260 = arith.index_cast %mul3A_212 : i32 to index
      %get3A_261 = tpu.vector_load %arg5[%get3A_259, %get3A_260] {strides = array<i32>} : memref<26x1024xi32, #tpu.memory_space<vmem>>, vector<1x16xi32>,
      %get3A_262 = vector.shape_cast %get3A_261 : vector<1x16xi32> to vector<16xi32>
      %get3A_263 = arith.constant 10 : i32
      %get3A_264 = arith.index_cast %get3A_263 : i32 to index
      %get3A_265 = arith.index_cast %mul3A_212 : i32 to index
      %get3A_266 = tpu.vector_load %arg5[%get3A_264, %get3A_265] {strides = array<i32>} : memref<26x1024xi32, #tpu.memory_space<vmem>>, vector<1x16xi32>,
      %get3A_267 = vector.shape_cast %get3A_266 : vector<1x16xi32> to vector<16xi32>
      %get3A_268 = arith.constant 11 : i32
      %get3A_269 = arith.index_cast %get3A_268 : i32 to index
      %get3A_270 = arith.index_cast %mul3A_212 : i32 to index
      %get3A_271 = tpu.vector_load %arg5[%get3A_269, %get3A_270] {strides = array<i32>} : memref<26x1024xi32, #tpu.memory_space<vmem>>, vector<1x16xi32>,
      %get3A_272 = vector.shape_cast %get3A_271 : vector<1x16xi32> to vector<16xi32>
      %get3A_273 = arith.constant 12 : i32
      %get3A_274 = arith.index_cast %get3A_273 : i32 to index
      %get3A_275 = arith.index_cast %mul3A_212 : i32 to index
      %get3A_276 = tpu.vector_load %arg5[%get3A_274, %get3A_275] {strides = array<i32>} : memref<26x1024xi32, #tpu.memory_space<vmem>>, vector<1x16xi32>,
      %get3A_277 = vector.shape_cast %get3A_276 : vector<1x16xi32> to vector<16xi32>
      %get3A_278 = arith.constant 13 : i32
      %get3A_279 = arith.index_cast %get3A_278 : i32 to index
      %get3A_280 = arith.index_cast %mul3A_212 : i32 to index
      %get3A_281 = tpu.vector_load %arg5[%get3A_279, %get3A_280] {strides = array<i32>} : memref<26x1024xi32, #tpu.memory_space<vmem>>, vector<1x16xi32>,
      %get3A_282 = vector.shape_cast %get3A_281 : vector<1x16xi32> to vector<16xi32>
      %get3A_283 = arith.constant 14 : i32
      %get3A_284 = arith.index_cast %get3A_283 : i32 to index
      %get3A_285 = arith.index_cast %mul3A_212 : i32 to index
      %get3A_286 = tpu.vector_load %arg5[%get3A_284, %get3A_285] {strides = array<i32>} : memref<26x1024xi32, #tpu.memory_space<vmem>>, vector<1x16xi32>,
      %get3A_287 = vector.shape_cast %get3A_286 : vector<1x16xi32> to vector<16xi32>
      %get3A_288 = arith.constant 15 : i32
      %get3A_289 = arith.index_cast %get3A_288 : i32 to index
      %get3A_290 = arith.index_cast %mul3A_212 : i32 to index
      %get3A_291 = tpu.vector_load %arg5[%get3A_289, %get3A_290] {strides = array<i32>} : memref<26x1024xi32, #tpu.memory_space<vmem>>, vector<1x16xi32>,
      %get3A_292 = vector.shape_cast %get3A_291 : vector<1x16xi32> to vector<16xi32>
      %get3A_293 = arith.constant 16 : i32
      %get3A_294 = arith.index_cast %get3A_293 : i32 to index
      %get3A_295 = arith.index_cast %mul3A_212 : i32 to index
      %get3A_296 = tpu.vector_load %arg5[%get3A_294, %get3A_295] {strides = array<i32>} : memref<26x1024xi32, #tpu.memory_space<vmem>>, vector<1x16xi32>,
      %get3A_297 = vector.shape_cast %get3A_296 : vector<1x16xi32> to vector<16xi32>
      %get3A_298 = arith.constant 17 : i32
      %get3A_299 = arith.index_cast %get3A_298 : i32 to index
      %get3A_300 = arith.index_cast %mul3A_212 : i32 to index
      %get3A_301 = tpu.vector_load %arg5[%get3A_299, %get3A_300] {strides = array<i32>} : memref<26x1024xi32, #tpu.memory_space<vmem>>, vector<1x16xi32>,
      %get3A_302 = vector.shape_cast %get3A_301 : vector<1x16xi32> to vector<16xi32>
      %get3A_303 = arith.constant 18 : i32
      %get3A_304 = arith.index_cast %get3A_303 : i32 to index
      %get3A_305 = arith.index_cast %mul3A_212 : i32 to index
      %get3A_306 = tpu.vector_load %arg5[%get3A_304, %get3A_305] {strides = array<i32>} : memref<26x1024xi32, #tpu.memory_space<vmem>>, vector<1x16xi32>,
      %get3A_307 = vector.shape_cast %get3A_306 : vector<1x16xi32> to vector<16xi32>
      %get3A_308 = arith.constant 19 : i32
      %get3A_309 = arith.index_cast %get3A_308 : i32 to index
      %get3A_310 = arith.index_cast %mul3A_212 : i32 to index
      %get3A_311 = tpu.vector_load %arg5[%get3A_309, %get3A_310] {strides = array<i32>} : memref<26x1024xi32, #tpu.memory_space<vmem>>, vector<1x16xi32>,
      %get3A_312 = vector.shape_cast %get3A_311 : vector<1x16xi32> to vector<16xi32>
      %get3A_313 = arith.constant 20 : i32
      %get3A_314 = arith.index_cast %get3A_313 : i32 to index
      %get3A_315 = arith.index_cast %mul3A_212 : i32 to index
      %get3A_316 = tpu.vector_load %arg5[%get3A_314, %get3A_315] {strides = array<i32>} : memref<26x1024xi32, #tpu.memory_space<vmem>>, vector<1x16xi32>,
      %get3A_317 = vector.shape_cast %get3A_316 : vector<1x16xi32> to vector<16xi32>
      %get3A_318 = arith.constant 21 : i32
      %get3A_319 = arith.index_cast %get3A_318 : i32 to index
      %get3A_320 = arith.index_cast %mul3A_212 : i32 to index
      %get3A_321 = tpu.vector_load %arg5[%get3A_319, %get3A_320] {strides = array<i32>} : memref<26x1024xi32, #tpu.memory_space<vmem>>, vector<1x16xi32>,
      %get3A_322 = vector.shape_cast %get3A_321 : vector<1x16xi32> to vector<16xi32>
      %get3A_323 = arith.constant 22 : i32
      %get3A_324 = arith.index_cast %get3A_323 : i32 to index
      %get3A_325 = arith.index_cast %mul3A_212 : i32 to index
      %get3A_326 = tpu.vector_load %arg5[%get3A_324, %get3A_325] {strides = array<i32>} : memref<26x1024xi32, #tpu.memory_space<vmem>>, vector<1x16xi32>,
      %get3A_327 = vector.shape_cast %get3A_326 : vector<1x16xi32> to vector<16xi32>
      %get3A_328 = arith.constant 23 : i32
      %get3A_329 = arith.index_cast %get3A_328 : i32 to index
      %get3A_330 = arith.index_cast %mul3A_212 : i32 to index
      %get3A_331 = tpu.vector_load %arg5[%get3A_329, %get3A_330] {strides = array<i32>} : memref<26x1024xi32, #tpu.memory_space<vmem>>, vector<1x16xi32>,
      %get3A_332 = vector.shape_cast %get3A_331 : vector<1x16xi32> to vector<16xi32>
      %get3A_333 = arith.constant 24 : i32
      %get3A_334 = arith.index_cast %get3A_333 : i32 to index
      %get3A_335 = arith.index_cast %mul3A_212 : i32 to index
      %get3A_336 = tpu.vector_load %arg5[%get3A_334, %get3A_335] {strides = array<i32>} : memref<26x1024xi32, #tpu.memory_space<vmem>>, vector<1x16xi32>,
      %get3A_337 = vector.shape_cast %get3A_336 : vector<1x16xi32> to vector<16xi32>
      %get3A_338 = arith.constant 25 : i32
      %get3A_339 = arith.index_cast %get3A_338 : i32 to index
      %get3A_340 = arith.index_cast %mul3A_212 : i32 to index
      %get3A_341 = tpu.vector_load %arg5[%get3A_339, %get3A_340] {strides = array<i32>} : memref<26x1024xi32, #tpu.memory_space<vmem>>, vector<1x16xi32>,
      %get3A_342 = vector.shape_cast %get3A_341 : vector<1x16xi32> to vector<16xi32>
      %add3A_343 = arith.addi %get3A_217, %get3A_222 : vector<16xi32>
      %add3A_344 = arith.addi %get3A_227, %get3A_232 : vector<16xi32>
      %add3A_345 = arith.addi %get3A_237, %get3A_242 : vector<16xi32>
      %add3A_346 = arith.addi %get3A_247, %get3A_252 : vector<16xi32>
      %add3A_347 = arith.addi %get3A_257, %get3A_262 : vector<16xi32>
      %add3A_348 = arith.addi %get3A_267, %get3A_272 : vector<16xi32>
      %add3A_349 = arith.addi %get3A_277, %get3A_282 : vector<16xi32>
      %add3A_350 = arith.addi %get3A_287, %get3A_292 : vector<16xi32>
      %add3A_351 = arith.addi %get3A_297, %get3A_302 : vector<16xi32>
      %add3A_352 = arith.addi %get3A_307, %get3A_312 : vector<16xi32>
      %add3A_353 = arith.addi %get3A_317, %get3A_322 : vector<16xi32>
      %add3A_354 = arith.addi %get3A_327, %get3A_332 : vector<16xi32>
      %add3A_355 = arith.addi %get3A_337, %get3A_342 : vector<16xi32>
      %add3A_356 = arith.addi %add3A_343, %add3A_344 : vector<16xi32>
      %add3A_357 = arith.addi %add3A_345, %add3A_346 : vector<16xi32>
      %add3A_358 = arith.addi %add3A_347, %add3A_348 : vector<16xi32>
      %add3A_359 = arith.addi %add3A_349, %add3A_350 : vector<16xi32>
      %add3A_360 = arith.addi %add3A_351, %add3A_352 : vector<16xi32>
      %add3A_361 = arith.addi %add3A_353, %add3A_354 : vector<16xi32>
      %add3A_362 = arith.addi %add3A_356, %add3A_357 : vector<16xi32>
      %add3A_363 = arith.addi %add3A_358, %add3A_359 : vector<16xi32>
      %add3A_364 = arith.addi %add3A_360, %add3A_361 : vector<16xi32>
      %add3A_365 = arith.addi %add3A_362, %add3A_363 : vector<16xi32>
      %add3A_366 = arith.addi %add3A_364, %add3A_355 : vector<16xi32>
      %add3A_367 = arith.addi %add3A_365, %add3A_366 : vector<16xi32>
      %add3A_368 = arith.addi %add3A_367, %add3A_367 : vector<16xi32>
      %gt3A_369 = arith.constant 26 : i32
      %gt3A_370 = vector.broadcast %gt3A_369 : i32 to vector<16xi32>
      %gt3A_371 = arith.cmpi sgt, %add3A_368, %gt3A_370 : vector<16xi32>
      %jit3A_372 = arith.constant 1 : i32
      %jit3A_373 = arith.constant 0 : i32
      %broadcast_in_dim3A_374 = vector.broadcast %jit3A_372 : i32 to vector<16xi32>
      %broadcast_in_dim3A_375 = vector.broadcast %jit3A_373 : i32 to vector<16xi32>
      %select_n3A_376 = arith.select %gt3A_371, %broadcast_in_dim3A_374, %broadcast_in_dim3A_375 : vector<16xi1>, vector<16xi32>
      %swap3A_377 = arith.index_cast %mul3A_212 : i32 to index
      %swap3A_378 = tpu.vector_load %arg6[%swap3A_377] {strides = array<i32>} : memref<1024xi32, #tpu.memory_space<vmem>>, vector<16xi32>,
      %swap3A_379 = vector.shape_cast %swap3A_378 : vector<16xi32> to vector<16xi32>
      %swap3A_380 = vector.shape_cast %select_n3A_376 : vector<16xi32> to vector<16xi32>
      tpu.vector_store %arg6[%swap3A_377], %swap3A_380 {strides = array<i32>} : memref<1024xi32, #tpu.memory_space<vmem>>, vector<16xi32>,
    }
    %scan3A_21 = arith.constant 32 : i32
    %dma_start3A_22 = tpu.memref_slice %arg3[%mul3A_2] : memref<32768xi32, #tpu.memory_space<hbm>> -> memref<1024xi32, #tpu.memory_space<hbm>>
    %dma_start3A_23 = tpu.memref_slice %arg3[%mul3A_2] : memref<32768xi32, #tpu.memory_space<hbm>> -> memref<1024xi32, #tpu.memory_space<hbm>>
    tpu.enqueue_dma source(%arg6 : memref<1024xi32, #tpu.memory_space<vmem>>) target(%dma_start3A_23 : memref<1024xi32, #tpu.memory_space<hbm>>) target_semaphore(%arg9 : memref<!tpu.dma_semaphore, #tpu.memory_space<semaphore_mem>>)
    %dma_wait3A_24 = arith.constant 24 : i32
    %dma_wait3A_25 = tpu.memref_slice %arg2[%dma_wait3A_24, %add3A_9] : memref<26x262144xi32, #tpu.memory_space<hbm>> -> memref<2x7168xi32, #tpu.memory_space<hbm>>
    %dma_wait3A_26 = arith.constant 24 : i32
    %dma_wait3A_27 = tpu.memref_slice %arg2[%dma_wait3A_26, %add3A_9] : memref<26x262144xi32, #tpu.memory_space<hbm>> -> memref<2x7168xi32, #tpu.memory_space<hbm>>
    tpu.wait_dma2 semaphore(%arg10 : memref<!tpu.dma_semaphore, #tpu.memory_space<semaphore_mem>>) src(%dma_wait3A_27 : memref<2x7168xi32, #tpu.memory_space<hbm>>) dst(%arg7 : memref<2x7168xi32, #tpu.memory_space<vmem>>)
    %scan3A_28 = arith.constant 0 : i32
    %scan3A_29 = arith.constant 0 : i32
    %scan3A_30 = arith.constant 224 : i32
    %scan3A_31 = arith.addi %scan3A_29, %scan3A_30 : i32
    %scan3A_32 = arith.constant 1 : i32
    scf.for %scan3A_38 = %scan3A_29 to %scan3A_31 step %scan3A_32  : i32 {
      %mul3A_39 = arith.constant 2 : i32
      %mul3A_40 = arith.muli %scan3A_38, %mul3A_39 : i32
      %add3A_41 = arith.constant 0 : i32
      %add3A_42 = arith.addi %mul3A_40, %add3A_41 : i32
      %mul3A_43 = arith.constant 16 : i32
      %mul3A_44 = arith.muli %add3A_42, %mul3A_43 : i32
      %get3A = arith.constant 0 : i32
      %get3A_45 = arith.index_cast %get3A : i32 to index
      %get3A_46 = arith.index_cast %mul3A_44 : i32 to index
      %get3A_47 = tpu.vector_load %arg7[%get3A_45, %get3A_46] {strides = array<i32>} : memref<2x7168xi32, #tpu.memory_space<vmem>>, vector<1x16xi32>,
      %get3A_48 = vector.shape_cast %get3A_47 : vector<1x16xi32> to vector<16xi32>
      %get3A_49 = arith.constant 1 : i32
      %get3A_50 = arith.index_cast %get3A_49 : i32 to index
      %get3A_51 = arith.index_cast %mul3A_44 : i32 to index
      %get3A_52 = tpu.vector_load %arg7[%get3A_50, %get3A_51] {strides = array<i32>} : memref<2x7168xi32, #tpu.memory_space<vmem>>, vector<1x16xi32>,
      %get3A_53 = vector.shape_cast %get3A_52 : vector<1x16xi32> to vector<16xi32>
      %add3A_54 = arith.addi %get3A_48, %get3A_53 : vector<16xi32>
      %swap3A = arith.index_cast %mul3A_44 : i32 to index
      %swap3A_55 = tpu.vector_load %arg8[%swap3A] {strides = array<i32>} : memref<7168xi32, #tpu.memory_space<vmem>>, vector<16xi32>,
      %swap3A_56 = vector.shape_cast %swap3A_55 : vector<16xi32> to vector<16xi32>
      %swap3A_57 = vector.shape_cast %add3A_54 : vector<16xi32> to vector<16xi32>
      tpu.vector_store %arg8[%swap3A], %swap3A_57 {strides = array<i32>} : memref<7168xi32, #tpu.memory_space<vmem>>, vector<16xi32>,
      %mul3A_58 = arith.constant 2 : i32
      %mul3A_59 = arith.muli %scan3A_38, %mul3A_58 : i32
      %add3A_60 = arith.constant 1 : i32
      %add3A_61 = arith.addi %mul3A_59, %add3A_60 : i32
      %mul3A_62 = arith.constant 16 : i32
      %mul3A_63 = arith.muli %add3A_61, %mul3A_62 : i32
      %get3A_64 = arith.constant 0 : i32
      %get3A_65 = arith.index_cast %get3A_64 : i32 to index
      %get3A_66 = arith.index_cast %mul3A_63 : i32 to index
      %get3A_67 = tpu.vector_load %arg7[%get3A_65, %get3A_66] {strides = array<i32>} : memref<2x7168xi32, #tpu.memory_space<vmem>>, vector<1x16xi32>,
      %get3A_68 = vector.shape_cast %get3A_67 : vector<1x16xi32> to vector<16xi32>
      %get3A_69 = arith.constant 1 : i32
      %get3A_70 = arith.index_cast %get3A_69 : i32 to index
      %get3A_71 = arith.index_cast %mul3A_63 : i32 to index
      %get3A_72 = tpu.vector_load %arg7[%get3A_70, %get3A_71] {strides = array<i32>} : memref<2x7168xi32, #tpu.memory_space<vmem>>, vector<1x16xi32>,
      %get3A_73 = vector.shape_cast %get3A_72 : vector<1x16xi32> to vector<16xi32>
      %add3A_74 = arith.addi %get3A_68, %get3A_73 : vector<16xi32>
      %swap3A_75 = arith.index_cast %mul3A_63 : i32 to index
      %swap3A_76 = tpu.vector_load %arg8[%swap3A_75] {strides = array<i32>} : memref<7168xi32, #tpu.memory_space<vmem>>, vector<16xi32>,
      %swap3A_77 = vector.shape_cast %swap3A_76 : vector<16xi32> to vector<16xi32>
      %swap3A_78 = vector.shape_cast %add3A_74 : vector<16xi32> to vector<16xi32>
      tpu.vector_store %arg8[%swap3A_75], %swap3A_78 {strides = array<i32>} : memref<7168xi32, #tpu.memory_space<vmem>>, vector<16xi32>,
    }
    %scan3A_33 = arith.constant 224 : i32
    %dma_wait3A_34 = tpu.memref_slice %arg3[%mul3A_2] : memref<32768xi32, #tpu.memory_space<hbm>> -> memref<1024xi32, #tpu.memory_space<hbm>>
    %dma_wait3A_35 = tpu.memref_slice %arg3[%mul3A_2] : memref<32768xi32, #tpu.memory_space<hbm>> -> memref<1024xi32, #tpu.memory_space<hbm>>
    tpu.wait_dma2 semaphore(%arg9 : memref<!tpu.dma_semaphore, #tpu.memory_space<semaphore_mem>>) src(%arg6 : memref<1024xi32, #tpu.memory_space<vmem>>) dst(%dma_wait3A_35 : memref<1024xi32, #tpu.memory_space<hbm>>)
    %add3A_36 = arith.constant 32768 : i32
    %add3A_37 = arith.addi %add3A_36, %mul3A_4 : i32
    "tpu.region"() ({
      %run_scoped3A = tpu.sem_alloc : memref<!tpu.dma_semaphore, #tpu.memory_space<semaphore_mem>>
      %dma_start3A_38 = tpu.memref_slice %arg4[%add3A_37] : memref<262144xi32, #tpu.memory_space<hbm>> -> memref<7168xi32, #tpu.memory_space<hbm>>
      %dma_start3A_39 = tpu.memref_slice %arg4[%add3A_37] : memref<262144xi32, #tpu.memory_space<hbm>> -> memref<7168xi32, #tpu.memory_space<hbm>>
      tpu.enqueue_dma source(%arg8 : memref<7168xi32, #tpu.memory_space<vmem>>) target(%dma_start3A_39 : memref<7168xi32, #tpu.memory_space<hbm>>) target_semaphore(%run_scoped3A : memref<!tpu.dma_semaphore, #tpu.memory_space<semaphore_mem>>)
      %dma_wait3A_40 = tpu.memref_slice %arg4[%add3A_37] : memref<262144xi32, #tpu.memory_space<hbm>> -> memref<7168xi32, #tpu.memory_space<hbm>>
      %dma_wait3A_41 = tpu.memref_slice %arg4[%add3A_37] : memref<262144xi32, #tpu.memory_space<hbm>> -> memref<7168xi32, #tpu.memory_space<hbm>>
      tpu.wait_dma2 semaphore(%run_scoped3A : memref<!tpu.dma_semaphore, #tpu.memory_space<semaphore_mem>>) src(%arg8 : memref<7168xi32, #tpu.memory_space<vmem>>) dst(%dma_wait3A_41 : memref<7168xi32, #tpu.memory_space<hbm>>)
      tpu.yield
    }) : () -> ()
    return
  }
}

module attributes {stable_mosaic.version = 14 : i64} {
  func.func @_tc_body(%arg0: i32, %arg1: memref<24x32768xi32, #tpu.memory_space<vmem>>, %arg2: memref<32768xi32, #tpu.memory_space<vmem>>) attributes {dimension_semantics = [#tpu.dimension_semantics<arbitrary>], iteration_bounds = array<i64: 7>, scalar_prefetch = 0 : i64, scratch_operands = 0 : i64, tpu.core_type = #tpu.core_type<tc>, window_params = [{transform_indices = @transform_0, window_bounds = array<i64: 24, 32768>}, {transform_indices = @transform_1, window_bounds = array<i64: 32768>}]} {
    %get3A = arith.constant 0 : index
    %get3A_0 = arith.constant 0 : index
    %get3A_1 = vector.load %arg1[%get3A, %get3A_0] : memref<24x32768xi32, #tpu.memory_space<vmem>>, vector<24x32768xi32>
    %reduce_sum3A = arith.constant dense<0> : vector<32768xi32>
    %reduce_sum3A_2 = vector.multi_reduction <add>, %get3A_1, %reduce_sum3A [0] : vector<24x32768xi32> to vector<32768xi32>
    %swap3A = arith.constant 0 : index
    %swap3A_3 = vector.load %arg2[%swap3A] : memref<32768xi32, #tpu.memory_space<vmem>>, vector<32768xi32>
    tpu.vector_store %arg2[%swap3A], %reduce_sum3A_2 {strides = array<i32>} : memref<32768xi32, #tpu.memory_space<vmem>>, vector<32768xi32>,
    return
  }
  func.func @transform_0(%arg0: i32) -> (i32, i32) {
    %add3A = arith.constant 1 : i32
    %add3A_0 = arith.addi %arg0, %add3A : i32
    %c0_i32 = arith.constant 0 : i32
    %c0_i32_1 = arith.constant 0 : i32
    return %c0_i32, %add3A_0 : i32, i32
  }
  func.func @transform_1(%arg0: i32) -> i32 {
    %add3A = arith.constant 1 : i32
    %add3A_0 = arith.addi %arg0, %add3A : i32
    %c0_i32 = arith.constant 0 : i32
    return %add3A_0 : i32
  }
}

</mosaic_0001>

<sc_bundles>
// kernel: kernel.4.cloned.1.call-start
scs
__scs_entry_jumppad:
0x0: {  	(pc) =	sbr.rel $0x88, $3  }
0x1: {  	(tag) =	ssettag $0x0;
	lr =	simm.s32 $0x1  }
0x2: {  	[smem:$0x3FA0] =	sst lr;
	_ =	strace $0xD0000000  }
0x3: {  	_ = 	snop  }
0x4: {  	_ = 	snop  }
0x5: {  	_ = 	snop  }
0x6: {  	_ = 	snop  }
0x7: {  	_ = 	snop  }
__scs_overlays_trampoline_lowered:
0x8: {  	[smem:$0x3FAF] =	sst s0  }
0x9: {  	[smem:$0x3FB0] =	sst s1  }
0xa: {  	[smem:$0x3FB1] =	sst s2  }
0xb: {  	[smem:$0x3FB2] =	sst s3  }
0xc: {  	[smem:$0x3FB3] =	sst s4  }
0xd: {  	[smem:$0x3FB4] =	sst s5  }
0xe: {  	[smem:$0x3FB5] =	sst s6  }
0xf: {  	[smem:$0x3FB6] =	sst s7  }
0x10: {  	[smem:$0x3FB7] =	sst s8  }
0x11: {  	[smem:$0x3FB8] =	sst s9;
	s0 =	simm.s32 @!p0 $0x0  }
0x12: {  	s1 =	sld [smem:$0x3F9E];
	s0 =	simm.s32 @p0 $0x1  }
0x13: {  	[smem:$0x3FB9] =	sst s0;
	s0 =	simm.s32 @!p1 $0x0  }
0x14: {  	s2 =	sld [smem:$0x3F9D];
	s0 =	simm.s32 @p1 $0x1  }
0x15: {  	[smem:$0x3FBA] =	sst s0;
	s0 =	simm.s32 @!p2 $0x0  }
0x16: {  	s3 =	sld [smem:$0x3FDB];
	s0 =	simm.s32 @p2 $0x1  }
0x17: {  	s4 =	simm.s32 $0x1BF5;
	[smem:$0x3FBC] =	sst s0  }
0x18: {  	s0 =	sld [smem:$0x3F9F];
	_ =	swait.ge [sflag:s4], $0x0  }
0x19: {  	s7 =	sld [smem:$0x3FA0]  }
0x1a: {  	s8 =	sadd.s32 $0xFFFFE003, lr  }
0x1b: {  	s9 =	sadd.s32 $0xFFFFFEF7, lr;
	s5 =	simm.s32 $0xFFFFFFFF;
	p2 =	slt.u32 s8, $0xFFFFF086  }
0x1c: {  	p1 =	slt.u32 s9, $0xF7A;
	s5 =	simm.s32 @!p2 $0x0  }
0x1d: {  	s5 =	simm.s32 @p1 $0x1;
	p0 =	seq.s32 s7, s2  }
0x1e: {  	s7 =	smul.u32 @!p0 $0xF7A, s2;
	p2 =	seq.s32 @!p0 s5, $0x0  }
0x1f: {  	s9 =	smul.u32 $0xF7A, s1;
	s8 =	simm.s32 @!p0 $0x1BF5;
	p2 =	por !p2, p0  }
0x20: {  	[sflag:s8] =	ssyncset.s32 @!p0 $0xFFFFF086;
	s6 =	sadd.s32 @!p0 s3, s7;
	s7 =	simm.s32 @!p0 $0x108  }
0x21: {  	s3 =	sadd.s32 s3, s9;
	s6 =	sadd.s32 @!p0 $0x88, s6;
	s7 =	simm.s32 @p2 $0x1082  }
0x22: {  	[simem:s7], [sflag:s8] =	dma.local @!p0 [hbm:s6], $0xF7A  }
0x23: {  	s9 =	sor.u32 $0xD0000000, s2;
	s6 =	simm.s32 $0x108;
	_ =	swait.ge @!p0 [sflag:s8], $0x0  }
0x24: {  	s3 =	sadd.s32 $0x88, s3;
	s6 =	simm.s32 @!p1 $0x1082;
	[sflag:s4] =	ssyncset.s32 $0xFFFFF086  }
0x25: {  	[simem:s6], [sflag:s4] =	dma.local [hbm:s3], $0xF7A  }
0x26: {  	[smem:$0x3FA0] =	sst s1;
	(tag) =	ssettag s2;
	_ =	strace s9  }
0x27: {  	s1 =	sld [smem:$0x3FB0]  }
0x28: {  	s2 =	sld [smem:$0x3FB1]  }
0x29: {  	s4 =	sld [smem:$0x3FB3]  }
0x2a: {  	p0 =	seq.s32 s5, $0x0;
	s5 =	sld [smem:$0x3FB4]  }
0x2b: {  	s6 =	sld [smem:$0x3FB5]  }
0x2c: {  	s7 =	sld [smem:$0x3FB6]  }
0x2d: {  	s3 =	simm.s32 $0x108;
	s8 =	sld [smem:$0x3FB7]  }
0x2e: {  	s3 =	simm.s32 @!p0 $0x1082;
	s9 =	sld [smem:$0x3FB8]  }
0x2f: {  	lr =	sadd.s32 s0, s3;
	s0 =	sld [smem:$0x3FAF]  }
0x30: {  	s3 =	sld [smem:$0x3FB2]  }
0x31: {  	[smem:$0x3FBB] =	sst s10  }
0x32: {  	s10 =	sld [smem:$0x3FB9];
	_ =	sdelay $0x3  }
0x33: {  	p0 =	seq.s32 s10, $0x1;
	s10 =	sld [smem:$0x3FBB];
	_ =	sdelay $0x3  }
0x34: {  	[smem:$0x3FBB] =	sst s10  }
0x35: {  	s10 =	sld [smem:$0x3FBA];
	_ =	sdelay $0x3  }
0x36: {  	p1 =	seq.s32 s10, $0x1;
	s10 =	sld [smem:$0x3FBB];
	_ =	sdelay $0x3  }
0x37: {  	[smem:$0x3FBB] =	sst s10  }
0x38: {  	s10 =	sld [smem:$0x3FBC]  }
0x39: {  	_ = 	snop;
	(pc) =	sbr.ind lr, $3  }
0x3a: {  	_ = 	snop  }
0x3b: {  	_ = 	snop  }
0x3c: {  	p2 =	seq.s32 s10, $0x1;
	s10 =	sld [smem:$0x3FBB]  }
0x3d: {  	_ =	shalt  }
0x3e: {  	_ =	shalt  }
0x3f: {  	_ =	shalt  }
0x40: {  	_ =	shalt  }
0x41: {  	_ =	shalt  }
0x42: {  	_ =	shalt  }
0x43: {  	_ =	shalt  }
0x44: {  	_ =	shalt  }
0x45: {  	_ =	shalt  }
0x46: {  	_ =	shalt  }
0x47: {  	_ =	shalt  }
0x48: {  	_ =	shalt  }
0x49: {  	_ =	shalt  }
0x4a: {  	_ =	shalt  }
0x4b: {  	_ =	shalt  }
0x4c: {  	_ =	shalt  }
0x4d: {  	_ =	shalt  }
0x4e: {  	_ =	shalt  }
0x4f: {  	_ =	shalt  }
0x50: {  	_ =	shalt  }
0x51: {  	_ =	shalt  }
0x52: {  	_ =	shalt  }
0x53: {  	_ =	shalt  }
0x54: {  	_ =	shalt  }
0x55: {  	_ =	shalt  }
0x56: {  	_ =	shalt  }
0x57: {  	_ =	shalt  }
0x58: {  	_ =	shalt  }
0x59: {  	_ =	shalt  }
0x5a: {  	_ =	shalt  }
0x5b: {  	_ =	shalt  }
0x5c: {  	_ =	shalt  }
0x5d: {  	_ =	shalt  }
0x5e: {  	_ =	shalt  }
0x5f: {  	_ =	shalt  }
0x60: {  	_ =	shalt  }
0x61: {  	_ =	shalt  }
0x62: {  	_ =	shalt  }
0x63: {  	_ =	shalt  }
0x64: {  	_ =	shalt  }
0x65: {  	_ =	shalt  }
0x66: {  	_ =	shalt  }
0x67: {  	_ =	shalt  }
0x68: {  	_ =	shalt  }
0x69: {  	_ =	shalt  }
0x6a: {  	_ =	shalt  }
0x6b: {  	_ =	shalt  }
0x6c: {  	_ =	shalt  }
0x6d: {  	_ =	shalt  }
0x6e: {  	_ =	shalt  }
0x6f: {  	_ =	shalt  }
0x70: {  	_ =	shalt  }
0x71: {  	_ =	shalt  }
0x72: {  	_ =	shalt  }
0x73: {  	_ =	shalt  }
0x74: {  	_ =	shalt  }
0x75: {  	_ =	shalt  }
0x76: {  	_ =	shalt  }
0x77: {  	_ =	shalt  }
0x78: {  	_ =	shalt  }
0x79: {  	_ =	shalt  }
0x7a: {  	_ =	shalt  }
0x7b: {  	_ =	shalt  }
0x7c: {  	_ =	shalt  }
0x7d: {  	_ =	shalt  }
0x7e: {  	_ =	shalt  }
0x7f: {  	_ =	shalt  }
0x80: {  	_ =	shalt  }
0x81: {  	_ =	shalt  }
0x82: {  	_ =	shalt  }
0x83: {  	_ =	shalt  }
0x84: {  	_ =	shalt  }
0x85: {  	_ =	shalt  }
0x86: {  	_ =	shalt  }
0x87: {  	_ =	shalt  }
.Lfunc_end0:
.L_simem_size_0:
called_computation_lowered:
.L_overlay_start_0:
0x88: {  	s2 =	sld [smem:$0x3FD9]  }
0x89: {  	s3 =	sld [smem:$0x3FFE];
	_ =	sdelay $0x1  }
0x8a: {  	s1 =	srdreg.scid  }
0x8b: {  	s0 =	sand.u32 $0x1, s1  }
0x8c: {  	s17 =	sshll.u32 s0, $0xA;
	s2 =	sadd.s32 s3, s2  }
0x8d: {  	s2 =	sadd.s32 s2, s17  }
0x8e: {  	[smem:$0x3FC7] =	sst s2  }
0x8f: {  	_ = 	snop  }
0x90: {  	s2 =	sld [smem:$0x3FC9]  }
0x91: {  	s18 =	sld [smem:$0x3FD0];
	(tm) =	ssettm $0x1  }
0x92: {  	s4 =	sld [smem:$0x3FFB];
	_ =	sdelay $0x3  }
0x93: {  	_ =	strace s4  }
0x94: {  	s4 =	sld [smem:$0x3FFC];
	_ =	sdelay $0x3  }
0x95: {  	_ =	strace s4  }
0x96: {  	s4 =	sld [smem:$0x3FFD];
	_ =	sdelay $0x3  }
0x97: {  	_ =	strace s4  }
0x98: {  	_ =	strace $0x8FFFFFFF  }
0x99: {  	s19 =	sld [smem:$0x3FDB];
	_ =	sdelay $0x1  }
0x9a: {  	s5 =	simm.s32 $_scs_section_size  }
0x9b: {  	s6 =	simm.s32 $_size__tile_overlayer_lowered;
	s7 =	simm.s32 $_tile_overlayer_lowered  }
0x9c: {  	s22 =	simm.s32 $0x1BFF;
	s21 =	sshll.u32 s7, $0x1;
	s4 =	sadd.s32 s5, s19  }
0x9d: {  	s8 =	simm.s32 $0x0;
	s20 =	sshll.u32 s6, $0x1;
	s6 =	sadd.s32 s21, s4  }
0x9e: {  	[timem:s8], [sflag:s22] =	dma.local [hbm:s6], s20  }
0x9f: {  	_ =	swait.ge [sflag:s22], s20  }
0xa0: {  	s5 =	ssub.s32 $0x0, s20;
	[sflag:s22] =	ssyncset.done $0x0  }
0xa1: {  	[sflag:s22] =	ssyncadd.s32 s5;
	_ =	sdelay $0x1  }
0xa2: {  	s23 =	simm.s32 $0x1B8B  }
0xa3: {  	_ =	swait.ge [sflag:s23], $0x1  }
0xa4: {  	[sflag:s23] =	ssyncset.done $0x0  }
0xa5: {  	s25 =	simm.s32 $0x1B8E;
	s24 =	sld [smem:$0x3FFE];
	[sflag:s23] =	ssyncadd.s32 $0xFFFFFFFF  }
0xa6: {  	s26 =	simm.s32 $execute0_lowered;
	[smem:$0x3FD2] =	sst s25  }
0xa7: {  	s6 =	sshll.u32 s26, $0x1;
	_ =	strace $0x80000046;
	[dreg:$0x1] =	wrdreg $0xFFFFFFFF  }
0xa8: {  	s28 =	simm.s32 $_size_execute0_lowered;
	s4 =	sadd.s32 s4, s6;
	[dreg:$0x0] =	wrdreg $0x0  }
0xa9: {  	s6 =	sshll.u32 s28, $0x1;
	[dreg:$0x2] =	wrdreg s4  }
0xaa: {  	[dreg:$0x3] =	wrdreg s6  }
0xab: {  	[dreg:$0x4] =	wrdreg $0xC0  }
0xac: {  	_ =	task [dreg:s8], $0x5FFFF  }
0xad: {  	[dreg:$0x1] =	wrdreg $0xFFFFFFFF  }
0xae: {  	[dreg:$0x0] =	wrdreg $0x60  }
0xaf: {  	[dreg:$0x2] =	wrdreg s2  }
0xb0: {  	[dreg:$0x3] =	wrdreg s24  }
0xb1: {  	[dreg:$0x4] =	wrdreg s18  }
0xb2: {  	[dreg:$0x5] =	wrdreg $0x9  }
0xb3: {  	_ =	task.clear_ibuf [dreg:s8], $0x6FFFF;
	_ =	strace $0x90000046  }
0xb4: {  	s29 =	simm.s32 $0x9;
	_ =	strace $0x80000048  }
0xb5: {  	_ =	swait.ge [sflag:s29], $0x1  }
0xb6: {  	[sflag:s29] =	ssyncadd.s32 $0xFFFFFFFF  }
0xb7: {  	_ =	strace $0x90000048  }
0xb8: {  	_ =	sfence  }
0xb9: {  	s30 =	sld [smem:$0x0];
	_ =	sdelay $0x2  }
0xba: {  	s31 =	sshll.u32 s1, $0xD;
	s1 =	sshrl.u32 s1, $0x2  }
0xbb: {  	s3 =	sand.u32 $0x4000, s31;
	s1 =	sadd.s32 s1, s30  }
0xbc: {  	s0 =	sor.u32 s3, s0;
	s1 =	sshll.u32 s1, $0x11  }
0xbd: {  	s0 =	sor.u32 s1, s0  }
0xbe: {  	s0 =	sadd.s32 $0x8F2B, s0  }
0xbf: {  	[sflag:s0] =	ssyncadd.remote.s32 $0x1  }
0xc0: {  	_ =	sfence.sel $0xFFFF  }
0xc1: {  	[dreg:$0x0] =	wrdreg $0xFFFFFFFF;
	(pc) =	sbr.abs _section_cstart, $3  }
0xc2: {  	[dreg:$0x1] =	wrdreg $0xFFFFFFFF  }
0xc3: {  	_ =	task.clear_ibuf [dreg:s8], $0x2FFFF;
	_ =	strace $0x9FFFFFFF  }
0xc4: {  	(tm) =	ssettm $0x7FFFFFFF  }
0xc5: {  	_ =	shalt  }
tec
execute0_lowered:
.L_overlay_start_1:
0x0: {  	(tag) =	ssettag $0x1  }
0x1: {  	s0 =	rddreg [dreg:$0x0]  }
0x2: {  	s1 =	rddreg [dreg:$0x1]  }
0x3: {  	s3 =	rddreg [dreg:$0x2]  }
0x4: {  	s4 =	srdreg.scid;
	s2 =	stileid.u32  }
0x5: {  	s8 =	simm.s32 $0x0;
	s4 =	sand.u32 $0x1, s4;
	s5 =	sshll.u32 s2, $0x1  }
0x6: {  	[smem:$0x7FF] =	sst s8;
	s5 =	sor.u32 s4, s5  }
0x7: {  	s4 =	ssub.s32 $0x2, s4;
	_ =	strace $0x80000047;
	s6 =	sshll.u32 s5, $0x7  }
0x8: {  	s7 =	smul.u32 $0x1C00, s5;
	s25 =	sshrl.u32 s4, $0x1;
	s5 =	sshll.u32 s5, $0xA  }
0x9: {  	s1 =	sadd.s32 s6, s1;
	s4 =	ssub.s32 s4, s25;
	s28 =	sadd.s32 s0, s5  }
0xa: {  	s26 =	sshrl.u32 s7, $0x3;
	[dreg:$0xd] =	wrdreg s28;
	s29 =	sadd.s32 $0x800, s1  }
0xb: {  	s0 =	sadd.s32 s7, s0;
	s31 =	smax.u32 s4, $0x1;
	[dreg:$0xf] =	wrdreg s29  }
0xc: {  	s3 =	sadd.s32 s3, s26;
	s0 =	sadd.s32 $0xC8000, s0;
	[dreg:$0x11] =	wrdreg s31  }
0xd: {  	s13 =	simm.s32 $0x8000;
	[dreg:$0xe] =	wrdreg s0;
	s30 =	sadd.s32 $0x1000, s3  }
0xe: {  	v0 =	vimm.s32 $0x0;
	s2 =	simm.s32 $0x0;
	s5 =	simm.s32 $0x1;
	[dreg:$0x10] =	wrdreg s30  }
.LBB2_1:
0xf: {  	[dreg:$0x12] =	wrdreg s2  }
0x10: {  	s0 =	rddreg [dreg:$0xd]  }
0x11: {  	s1 =	simm.s32 $0x2000;
	s25 =	simm.s32 $0x200000;
	s26 =	rddreg [dreg:$0xe]  }
0x12: {  	[tilespmem:s8], [sflag:$0x1] =	stream.strided.gather [hbm4b:s0+s1], $0x8000, s25, s1, $0x38;
	[tilespmem:$0xD800] =	vst v63  }
0x13: {  	s28 =	simm.s32 $0x100;
	s29 =	simm.s32 $0x400;
	s3 =	simm.s32 $0x8400  }
0x14: {  	[tilespmem:s3], [sflag:$0x2] =	stream.strided.gather [hbm4b:s26+s28], $0x3800, s29, s28, $0x38;
	[tilespmem:$0xD800] =	vst v63  }
0x15: {  	_ =	swait.ge [sflag:s5], $0x8000  }
0x16: {  	s4 =	sand.u32 $0x60, s8;
	s3 =	sand.u32 $0x1C00, s8;
	[sflag:s5] =	ssyncset.done $0x0  }
0x17: {  	s30 =	sor.u32 s4, s3;
	[sflag:s5] =	ssyncadd.s32 $0xFFFF8000  }
0x18: {  	v1 =	vld [tilespmem:s30+$0x0]  }
0x19: {  	v2 =	vld [tilespmem:s30+$0x80]  }
0x1a: {  	v3 =	vld [tilespmem:s30+$0x100]  }
0x1b: {  	v4 =	vld [tilespmem:s30+$0x180]  }
0x1c: {  	v5 =	vld [tilespmem:s30+$0x200]  }
0x1d: {  	v6 =	vld [tilespmem:s30+$0x280]  }
0x1e: {  	s0 =	sor.u32 $0x2000, s3;
	v7 =	vld [tilespmem:s30+$0x300];
	v1 =	vadd.s32 v1, v2  }
0x1f: {  	s1 =	sor.u32 $0x2080, s3;
	s6 =	sor.u32 s4, s0;
	v2 =	vld [tilespmem:s30+$0x380];
	v1 =	vadd.s32 v3, v1  }
0x20: {  	s2 =	sor.u32 s4, s1;
	s5 =	sor.u32 $0x2100, s3;
	v3 =	vld [tilespmem:s6+$0x0];
	v1 =	vadd.s32 v4, v1  }
0x21: {  	s7 =	sor.u32 $0x2180, s3;
	v36 =	vld [tilespmem:s2+$0x0];
	s9 =	sor.u32 s4, s5;
	v1 =	vadd.s32 v5, v1  }
0x22: {  	s8 =	sor.u32 $0x2200, s3;
	s10 =	sor.u32 s4, s7;
	v37 =	vld [tilespmem:s9+$0x0];
	v1 =	vadd.s32 v6, v1  }
0x23: {  	s11 =	sor.u32 s4, s8;
	v38 =	vld [tilespmem:s10+$0x0];
	s9 =	sor.u32 $0x2280, s3;
	v1 =	vadd.s32 v7, v1  }
0x24: {  	s10 =	sor.u32 $0x2300, s3;
	v39 =	vld [tilespmem:s11+$0x0];
	s12 =	sor.u32 s4, s9;
	v1 =	vadd.s32 v2, v1  }
0x25: {  	s11 =	sor.u32 $0x2380, s3;
	s14 =	sor.u32 s4, s10;
	v2 =	vld [tilespmem:s12+$0x0];
	v1 =	vadd.s32 v3, v1  }
0x26: {  	s15 =	sor.u32 $0x4000, s3;
	s16 =	sor.u32 s4, s11;
	v3 =	vld [tilespmem:s14+$0x0];
	v1 =	vadd.s32 v36, v1  }
0x27: {  	s17 =	sor.u32 $0x4080, s3;
	s19 =	sor.u32 s4, s15;
	v40 =	vld [tilespmem:s16+$0x0];
	v1 =	vadd.s32 v37, v1  }
0x28: {  	s18 =	sor.u32 $0x4100, s3;
	s20 =	sor.u32 s4, s17;
	v41 =	vld [tilespmem:s19+$0x0];
	v1 =	vadd.s32 v38, v1  }
0x29: {  	s22 =	sor.u32 s4, s18;
	s19 =	sor.u32 $0x4180, s3;
	v42 =	vld [tilespmem:s20+$0x0];
	v1 =	vadd.s32 v39, v1  }
0x2a: {  	s21 =	sor.u32 $0x4200, s3;
	v43 =	vld [tilespmem:s22+$0x0];
	s26 =	sor.u32 s4, s19;
	v1 =	vadd.s32 v2, v1  }
0x2b: {  	s23 =	sor.u32 s4, s21;
	s22 =	sor.u32 $0x4280, s3;
	v2 =	vld [tilespmem:s26+$0x0];
	v1 =	vadd.s32 v3, v1  }
0x2c: {  	s24 =	sor.u32 $0x4300, s3;
	s28 =	sor.u32 s4, s22;
	v3 =	vld [tilespmem:s23+$0x0];
	v1 =	vadd.s32 v40, v1  }
0x2d: {  	s25 =	sor.u32 $0x4380, s3;
	s29 =	sor.u32 s4, s24;
	v44 =	vld [tilespmem:s28+$0x0];
	v1 =	vadd.s32 v41, v1  }
0x2e: {  	v45 =	vld [tilespmem:s29+$0x0];
	s28 =	sor.u32 s4, s25;
	s26 =	sor.u32 $0x6000, s3;
	v1 =	vadd.s32 v42, v1  }
0x2f: {  	s20 =	sor.u32 $0x6080, s3;
	v46 =	vld [tilespmem:s28+$0x0];
	s30 =	sor.u32 s4, s26;
	v1 =	vadd.s32 v43, v1  }
0x30: {  	s2 =	sor.u32 s4, s20;
	v47 =	vld [tilespmem:s30+$0x0];
	v1 =	vadd.s32 v2, v1  }
0x31: {  	v2 =	vld [tilespmem:s2+$0x0];
	v1 =	vadd.s32 v3, v1  }
0x32: {  	v1 =	vadd.s32 v44, v1  }
0x33: {  	v1 =	vadd.s32 v45, v1  }
0x34: {  	v1 =	vadd.s32 v46, v1  }
0x35: {  	v1 =	vadd.s32 v47, v1  }
0x36: {  	v1 =	vadd.s32 v2, v1  }
0x37: {  	v1 =	vshll.u32 v1, $0x1  }
0x38: {  	vm0 =	vgt.s32 v1, $0x1A  }
0x39: {  	s23 =	sor.u32 $0x10, s4;
	v1 =	vsel vm0, $0x1, v0  }
0x3a: {  	s3 =	sor.u32 s23, s3;
	[tilespmem:s13+$0x0] =	vst v1  }
0x3b: {  	v1 =	vld [tilespmem:s3+$0x0]  }
0x3c: {  	v2 =	vld [tilespmem:s3+$0x80]  }
0x3d: {  	v3 =	vld [tilespmem:s3+$0x100]  }
0x3e: {  	v48 =	vld [tilespmem:s3+$0x180]  }
0x3f: {  	v49 =	vld [tilespmem:s3+$0x200]  }
0x40: {  	v50 =	vld [tilespmem:s3+$0x280]  }
0x41: {  	v51 =	vld [tilespmem:s3+$0x300];
	v1 =	vadd.s32 v1, v2  }
0x42: {  	s0 =	sor.u32 s23, s0;
	v2 =	vld [tilespmem:s3+$0x380];
	v1 =	vadd.s32 v3, v1  }
0x43: {  	s4 =	sor.u32 s23, s1;
	v3 =	vld [tilespmem:s0+$0x0];
	v1 =	vadd.s32 v48, v1  }
0x44: {  	s6 =	sor.u32 s23, s5;
	v52 =	vld [tilespmem:s4+$0x0];
	v1 =	vadd.s32 v49, v1  }
0x45: {  	s7 =	sor.u32 s23, s7;
	v53 =	vld [tilespmem:s6+$0x0];
	v1 =	vadd.s32 v50, v1  }
0x46: {  	s8 =	sor.u32 s23, s8;
	v54 =	vld [tilespmem:s7+$0x0];
	v1 =	vadd.s32 v51, v1  }
0x47: {  	s9 =	sor.u32 s23, s9;
	v55 =	vld [tilespmem:s8+$0x0];
	v1 =	vadd.s32 v2, v1  }
0x48: {  	s10 =	sor.u32 s23, s10;
	v2 =	vld [tilespmem:s9+$0x0];
	v1 =	vadd.s32 v3, v1  }
0x49: {  	s13 =	sor.u32 s23, s11;
	v3 =	vld [tilespmem:s10+$0x0];
	v1 =	vadd.s32 v52, v1  }
0x4a: {  	s15 =	sor.u32 s23, s15;
	v56 =	vld [tilespmem:s13+$0x0];
	v1 =	vadd.s32 v53, v1  }
0x4b: {  	s17 =	sor.u32 s23, s17;
	v57 =	vld [tilespmem:s15+$0x0];
	v1 =	vadd.s32 v54, v1  }
0x4c: {  	s18 =	sor.u32 s23, s18;
	v58 =	vld [tilespmem:s17+$0x0];
	v1 =	vadd.s32 v55, v1  }
0x4d: {  	s19 =	sor.u32 s23, s19;
	v59 =	vld [tilespmem:s18+$0x0];
	v1 =	vadd.s32 v2, v1  }
0x4e: {  	s21 =	sor.u32 s23, s21;
	v2 =	vld [tilespmem:s19+$0x0];
	v1 =	vadd.s32 v3, v1  }
0x4f: {  	s22 =	sor.u32 s23, s22;
	v3 =	vld [tilespmem:s21+$0x0];
	v1 =	vadd.s32 v56, v1  }
0x50: {  	s24 =	sor.u32 s23, s24;
	v60 =	vld [tilespmem:s22+$0x0];
	v1 =	vadd.s32 v57, v1  }
0x51: {  	s28 =	sor.u32 s23, s25;
	v61 =	vld [tilespmem:s24+$0x0];
	v1 =	vadd.s32 v58, v1  }
0x52: {  	s29 =	sor.u32 s23, s26;
	v62 =	vld [tilespmem:s28+$0x0];
	v1 =	vadd.s32 v59, v1  }
0x53: {  	v63 =	vld [tilespmem:s29+$0x0];
	v1 =	vadd.s32 v2, v1  }
0x54: {  	v1 =	vadd.s32 v3, v1  }
0x55: {  	v1 =	vadd.s32 v60, v1  }
0x56: {  	v1 =	vadd.s32 v61, v1  }
0x57: {  	s31 =	simm.s32 $0x0;
	s30 =	sor.u32 s23, s20;
	v2 =	vadd.s32 v62, v1  }
0x58: {  	s22 =	simm.s32 $0x8000;
	s0 =	simm.s32 $0x0;
	s19 =	simm.s32 $0x20;
	v1 =	vld [tilespmem:s30+$0x0];
	v2 =	vadd.s32 v63, v2  }
.LBB2_2:
0x59: {  	_ =	sdelay $0x3  }
0x5a: {  	v1 =	vadd.s32 v1, v2  }
0x5b: {  	v1 =	vshll.u32 v1, $0x1  }
0x5c: {  	s31 =	sadd.s32 $0x100, s31;
	s0 =	sand.u32 $0x380, s0;
	s1 =	smov.u32 s19;
	vm0 =	vgt.s32 v1, $0x1A  }
0x5d: {  	s25 =	sand.u32 $0x60, s1;
	s24 =	sand.u32 $0x1C00, s31;
	s0 =	sor.u32 s23, s0;
	v1 =	vsel vm0, $0x1, v0  }
0x5e: {  	s6 =	sor.u32 s25, s24;
	[tilespmem:s0+$0x8000] =	vst v1  }
0x5f: {  	v1 =	vld [tilespmem:s6+$0x0]  }
0x60: {  	v2 =	vld [tilespmem:s6+$0x80]  }
0x61: {  	v3 =	vld [tilespmem:s6+$0x100]  }
0x62: {  	v4 =	vld [tilespmem:s6+$0x180]  }
0x63: {  	v5 =	vld [tilespmem:s6+$0x200]  }
0x64: {  	v6 =	vld [tilespmem:s6+$0x280]  }
0x65: {  	s17 =	sor.u32 $0x2000, s24;
	v7 =	vld [tilespmem:s6+$0x300];
	v1 =	vadd.s32 v1, v2  }
0x66: {  	s2 =	sor.u32 $0x2080, s24;
	s12 =	sor.u32 s25, s17;
	v2 =	vld [tilespmem:s6+$0x380];
	v1 =	vadd.s32 v3, v1  }
0x67: {  	s23 =	sor.u32 s25, s2;
	v3 =	vld [tilespmem:s12+$0x0];
	s12 =	sor.u32 $0x2100, s24;
	v1 =	vadd.s32 v4, v1  }
0x68: {  	s18 =	sor.u32 $0x2180, s24;
	v36 =	vld [tilespmem:s23+$0x0];
	s23 =	sor.u32 s25, s12;
	v1 =	vadd.s32 v5, v1  }
0x69: {  	s20 =	sor.u32 $0x2200, s24;
	s8 =	sor.u32 s25, s18;
	v37 =	vld [tilespmem:s23+$0x0];
	v1 =	vadd.s32 v6, v1  }
0x6a: {  	s21 =	sor.u32 $0x2280, s24;
	[dreg:$0x5] =	wrdreg s17;
	s15 =	sor.u32 s25, s20;
	v38 =	vld [tilespmem:s8+$0x0];
	v1 =	vadd.s32 v7, v1  }
0x6b: {  	s26 =	sor.u32 $0x2300, s24;
	[dreg:$0x6] =	wrdreg s2;
	s17 =	sor.u32 s25, s21;
	v39 =	vld [tilespmem:s15+$0x0];
	v1 =	vadd.s32 v2, v1  }
0x6c: {  	s28 =	sor.u32 $0x2380, s24;
	[dreg:$0x7] =	wrdreg s18;
	s7 =	sor.u32 s25, s26;
	v2 =	vld [tilespmem:s17+$0x0];
	v1 =	vadd.s32 v3, v1  }
0x6d: {  	s29 =	sor.u32 $0x4000, s24;
	[dreg:$0x8] =	wrdreg s20;
	s13 =	sor.u32 s25, s28;
	v3 =	vld [tilespmem:s7+$0x0];
	v1 =	vadd.s32 v36, v1  }
0x6e: {  	[dreg:$0xc] =	wrdreg s29;
	s18 =	sor.u32 s25, s29;
	s29 =	sor.u32 $0x4080, s24;
	v40 =	vld [tilespmem:s13+$0x0];
	v1 =	vadd.s32 v37, v1  }
0x6f: {  	[dreg:$0xa] =	wrdreg s26;
	s26 =	sor.u32 $0x4100, s24;
	s20 =	sor.u32 s25, s29;
	v41 =	vld [tilespmem:s18+$0x0];
	v1 =	vadd.s32 v38, v1  }
0x70: {  	[dreg:$0xb] =	wrdreg s28;
	s28 =	sor.u32 $0x4180, s24;
	s2 =	sor.u32 s25, s26;
	v42 =	vld [tilespmem:s20+$0x0];
	v1 =	vadd.s32 v39, v1  }
0x71: {  	s16 =	sor.u32 $0x4200, s24;
	s5 =	sor.u32 s25, s28;
	v43 =	vld [tilespmem:s2+$0x0];
	v1 =	vadd.s32 v2, v1  }
0x72: {  	s10 =	sor.u32 $0x4280, s24;
	s4 =	sor.u32 s25, s16;
	v2 =	vld [tilespmem:s5+$0x0];
	v1 =	vadd.s32 v3, v1  }
0x73: {  	s11 =	sor.u32 $0x4300, s24;
	s0 =	sor.u32 s25, s10;
	v3 =	vld [tilespmem:s4+$0x0];
	v1 =	vadd.s32 v40, v1  }
0x74: {  	s9 =	sor.u32 $0x4380, s24;
	s3 =	sor.u32 s25, s11;
	v44 =	vld [tilespmem:s0+$0x0];
	v1 =	vadd.s32 v41, v1  }
0x75: {  	[dreg:$0x4] =	wrdreg s1;
	s14 =	sor.u32 $0x6000, s24;
	s1 =	sor.u32 s25, s9;
	v45 =	vld [tilespmem:s3+$0x0];
	v1 =	vadd.s32 v42, v1  }
0x76: {  	[dreg:$0x9] =	wrdreg s21;
	s21 =	sor.u32 s25, s14;
	v46 =	vld [tilespmem:s1+$0x0];
	s6 =	sor.u32 $0x6080, s24;
	v1 =	vadd.s32 v43, v1  }
0x77: {  	v47 =	vld [tilespmem:s21+$0x0];
	s30 =	sor.u32 s25, s6;
	v1 =	vadd.s32 v2, v1  }
0x78: {  	v2 =	vld [tilespmem:s30+$0x0];
	v1 =	vadd.s32 v3, v1  }
0x79: {  	v1 =	vadd.s32 v44, v1  }
0x7a: {  	v1 =	vadd.s32 v45, v1  }
0x7b: {  	v1 =	vadd.s32 v46, v1  }
0x7c: {  	v1 =	vadd.s32 v47, v1  }
0x7d: {  	v1 =	vadd.s32 v2, v1  }
0x7e: {  	v1 =	vshll.u32 v1, $0x1  }
0x7f: {  	vm15 =	vgt.s32 v1, $0x1A  }
0x80: {  	s22 =	sadd.s32 $0x20, s22;
	s23 =	sor.u32 $0x10, s25;
	v1 =	vsel vm15, $0x1, v0  }
0x81: {  	s30 =	sor.u32 s23, s24;
	[tilespmem:s22+$0x0] =	vst v1  }
0x82: {  	v1 =	vld [tilespmem:s30+$0x0]  }
0x83: {  	v2 =	vld [tilespmem:s30+$0x80]  }
0x84: {  	v3 =	vld [tilespmem:s30+$0x100]  }
0x85: {  	v48 =	vld [tilespmem:s30+$0x180]  }
0x86: {  	v49 =	vld [tilespmem:s30+$0x200]  }
0x87: {  	v50 =	vld [tilespmem:s30+$0x280]  }
0x88: {  	s8 =	rddreg [dreg:$0x5];
	v51 =	vld [tilespmem:s30+$0x300];
	v1 =	vadd.s32 v1, v2  }
0x89: {  	s13 =	rddreg [dreg:$0x6];
	s1 =	sor.u32 s23, s8;
	v2 =	vld [tilespmem:s30+$0x380];
	v1 =	vadd.s32 v3, v1  }
0x8a: {  	s2 =	sor.u32 s23, s13;
	v3 =	vld [tilespmem:s1+$0x0];
	v1 =	vadd.s32 v48, v1  }
0x8b: {  	s15 =	rddreg [dreg:$0x7];
	v52 =	vld [tilespmem:s2+$0x0];
	s30 =	sor.u32 s23, s12;
	v1 =	vadd.s32 v49, v1  }
0x8c: {  	s3 =	sor.u32 s23, s15;
	s17 =	rddreg [dreg:$0x8];
	v53 =	vld [tilespmem:s30+$0x0];
	v1 =	vadd.s32 v50, v1  }
0x8d: {  	s18 =	rddreg [dreg:$0x9];
	s4 =	sor.u32 s23, s17;
	v54 =	vld [tilespmem:s3+$0x0];
	v1 =	vadd.s32 v51, v1  }
0x8e: {  	s20 =	rddreg [dreg:$0xa];
	s5 =	sor.u32 s23, s18;
	v55 =	vld [tilespmem:s4+$0x0];
	v1 =	vadd.s32 v2, v1  }
0x8f: {  	s21 =	rddreg [dreg:$0xb];
	s7 =	sor.u32 s23, s20;
	v2 =	vld [tilespmem:s5+$0x0];
	v1 =	vadd.s32 v3, v1  }
0x90: {  	s8 =	sor.u32 s23, s21;
	s24 =	rddreg [dreg:$0xc];
	v3 =	vld [tilespmem:s7+$0x0];
	v1 =	vadd.s32 v52, v1  }
0x91: {  	s13 =	sor.u32 s23, s24;
	v56 =	vld [tilespmem:s8+$0x0];
	v1 =	vadd.s32 v53, v1  }
0x92: {  	s25 =	sor.u32 s23, s29;
	v57 =	vld [tilespmem:s13+$0x0];
	v1 =	vadd.s32 v54, v1  }
0x93: {  	s26 =	sor.u32 s23, s26;
	v58 =	vld [tilespmem:s25+$0x0];
	v1 =	vadd.s32 v55, v1  }
0x94: {  	s29 =	sor.u32 s23, s28;
	v59 =	vld [tilespmem:s26+$0x0];
	v1 =	vadd.s32 v2, v1  }
0x95: {  	s16 =	sor.u32 s23, s16;
	v2 =	vld [tilespmem:s29+$0x0];
	v1 =	vadd.s32 v3, v1  }
0x96: {  	s10 =	sor.u32 s23, s10;
	v3 =	vld [tilespmem:s16+$0x0];
	v1 =	vadd.s32 v56, v1  }
0x97: {  	s11 =	sor.u32 s23, s11;
	v60 =	vld [tilespmem:s10+$0x0];
	v1 =	vadd.s32 v57, v1  }
0x98: {  	s9 =	sor.u32 s23, s9;
	v61 =	vld [tilespmem:s11+$0x0];
	v1 =	vadd.s32 v58, v1  }
0x99: {  	s14 =	sor.u32 s23, s14;
	v62 =	vld [tilespmem:s9+$0x0];
	v1 =	vadd.s32 v59, v1  }
0x9a: {  	p0 =	sne.s32 s19, $0x3E0;
	v63 =	vld [tilespmem:s14+$0x0];
	v2 =	vadd.s32 v2, v1  }
.Ltmp0:
0x9b: {  	v2 =	vadd.s32 v3, v2;
	(pc) =	sbr.rel @p0 .LBB2_2-.Ltmp0, $4  }
0x9c: {  	v2 =	vadd.s32 v60, v2  }
0x9d: {  	v2 =	vadd.s32 v61, v2  }
0x9e: {  	s6 =	sor.u32 s23, s6;
	v2 =	vadd.s32 v62, v2  }
0x9f: {  	s19 =	sadd.s32 $0x20, s19;
	s0 =	rddreg [dreg:$0x4];
	v1 =	vld [tilespmem:s6+$0x0];
	v2 =	vadd.s32 v63, v2  }
0xa0: {  	_ =	sdelay $0x3  }
0xa1: {  	v1 =	vadd.s32 v1, v2  }
0xa2: {  	v1 =	vshll.u32 v1, $0x1  }
0xa3: {  	s0 =	sand.u32 $0x380, s0;
	vm0 =	vgt.s32 v1, $0x1A  }
0xa4: {  	s2 =	simm.s32 $0x0;
	s0 =	sor.u32 s23, s0;
	v1 =	vsel vm0, $0x1, v0  }
0xa5: {  	s29 =	rddreg [dreg:$0xf];
	s13 =	simm.s32 $0x8000;
	s1 =	simm.s32 $0x2;
	[tilespmem:s0+$0x8000] =	vst v1  }
0xa6: {  	[hbm4b:s29+s2] =	stream.linear.scatter [tilespmem:s13], [sflag:$0x1], $0x400, $0x38;
	[tilespmem:$0xD800] =	vst v63  }
0xa7: {  	s30 =	sand.u32 $0x3F00, s2;
	_ =	swait.ge [sflag:s1], $0x3800  }
0xa8: {  	s3 =	sand.u32 $0x60, s2;
	s0 =	sadd.s32 $0x8400, s30;
	[sflag:s1] =	ssyncset.done $0x0  }
0xa9: {  	s31 =	sor.u32 s3, s0;
	[sflag:s1] =	ssyncadd.s32 $0xFFFFC800  }
0xaa: {  	v1 =	vld [tilespmem:s31+$0x0]  }
0xab: {  	v2 =	vld [tilespmem:s31+$0x80];
	_ =	sdelay $0x4  }
0xac: {  	s4 =	sor.u32 $0x10, s3;
	s1 =	simm.s32 $0xBC00;
	v1 =	vadd.s32 v1, v2  }
0xad: {  	s5 =	sor.u32 s4, s0;
	[tilespmem:s1+$0x0] =	vst v1  }
0xae: {  	v1 =	vld [tilespmem:s5+$0x0]  }
0xaf: {  	v2 =	vld [tilespmem:s5+$0x80]  }
0xb0: {  	s0 =	simm.s32 $0x20;
	s2 =	sand.u32 $0x1F80, s2  }
0xb1: {  	s3 =	simm.s32 $0x40;
	s5 =	sor.u32 s4, s2;
	s4 =	simm.s32 $0x40  }
.LBB2_4:
0xb2: {  	p0 =	sne.s32 s3, $0x1BE0  }
0xb3: {  	s2 =	sand.u32 $0x3F00, s4;
	s1 =	sadd.s32 $0x20, s1;
	s6 =	smov.u32 s3  }
0xb4: {  	s3 =	sadd.s32 $0x20, s3;
	s7 =	sand.u32 $0x60, s0;
	s2 =	sadd.s32 $0x8400, s2;
	v1 =	vadd.s32 v1, v2  }
0xb5: {  	s8 =	sor.u32 s7, s2;
	[tilespmem:s5+$0xBC00] =	vst v1  }
0xb6: {  	v1 =	vld [tilespmem:s8+$0x0]  }
0xb7: {  	v2 =	vld [tilespmem:s8+$0x80];
	_ =	sdelay $0x4  }
0xb8: {  	s5 =	sor.u32 $0x10, s7;
	v1 =	vadd.s32 v1, v2  }
0xb9: {  	s2 =	sor.u32 s5, s2;
	[tilespmem:s1+$0x0] =	vst v1  }
.Ltmp1:
0xba: {  	v1 =	vld [tilespmem:s2+$0x0];
	(pc) =	sbr.rel @p0 .LBB2_4-.Ltmp1, $3  }
0xbb: {  	v2 =	vld [tilespmem:s2+$0x80];
	_ =	sdelay $0x1  }
0xbc: {  	s2 =	sand.u32 $0x1F80, s0;
	s0 =	smov.u32 s6  }
0xbd: {  	s4 =	sadd.s32 $0x40, s4;
	s5 =	sor.u32 s5, s2  }
0xbe: {  	s2 =	sand.u32 $0x3F00, s4  }
0xbf: {  	s3 =	sand.u32 $0x60, s0;
	s2 =	sadd.s32 $0x8400, s2;
	v1 =	vadd.s32 v1, v2  }
0xc0: {  	s23 =	sor.u32 s3, s2;
	[tilespmem:s5+$0xBC00] =	vst v1  }
0xc1: {  	v1 =	vld [tilespmem:s23+$0x0]  }
0xc2: {  	v2 =	vld [tilespmem:s23+$0x80];
	_ =	sdelay $0x4  }
0xc3: {  	s1 =	sadd.s32 $0x20, s1;
	s3 =	sor.u32 $0x10, s3;
	v1 =	vadd.s32 v1, v2  }
0xc4: {  	s24 =	sor.u32 s3, s2;
	[tilespmem:s1+$0x0] =	vst v1  }
0xc5: {  	v1 =	vld [tilespmem:s24+$0x0]  }
0xc6: {  	v2 =	vld [tilespmem:s24+$0x80];
	_ =	sdelay $0x3  }
0xc7: {  	s25 =	sand.u32 $0x1F80, s0  }
0xc8: {  	s0 =	sor.u32 s3, s25;
	v1 =	vadd.s32 v1, v2  }
0xc9: {  	s5 =	simm.s32 $0x1;
	[tilespmem:s0+$0xBC00] =	vst v1  }
0xca: {  	_ =	swait.ge [sflag:s5], $0x400  }
0xcb: {  	s8 =	simm.s32 $0x0;
	s28 =	simm.s32 $0xBC00;
	[sflag:s5] =	ssyncset.done $0x0  }
0xcc: {  	s29 =	simm.s32 $0x3;
	s26 =	rddreg [dreg:$0x10];
	[sflag:s5] =	ssyncadd.s32 $0xFFFFFC00  }
0xcd: {  	[hbm4b:s26+s8] =	stream.linear.scatter [tilespmem:s28], [sflag:$0x3], $0x1C00, $0x38;
	[tilespmem:$0xD800] =	vst v63  }
0xce: {  	_ =	swait.ge [sflag:s29], $0x1C00  }
0xcf: {  	s30 =	rddreg [dreg:$0x12]  }
0xd0: {  	s31 =	rddreg [dreg:$0x11];
	s2 =	sadd.s32 $0x1, s30  }
0xd1: {  	p0 =	sne.s32 s2, s31  }
.Ltmp2:
0xd2: {  	_ = 	snop;
	(pc) =	sbr.rel @p0 .LBB2_1-.Ltmp2, $3  }
0xd3: {  	_ =	sdelay $0x1  }
0xd4: {  	[sflag:s29] =	ssyncset.done $0x0  }
0xd5: {  	[sflag:s29] =	ssyncadd.s32 $0xFFFFE400  }
0xd6: {  	_ =	sfence.sel $0x180000  }
0xd7: {  	[bflag:$0x0] =	sbarrier.arrive $0xFFFF  }
0xd8: {  	_ =	strace $0x90000047  }
0xd9: {  	s0 =	stileid.u32;
	[bflag:$0x2] =	sbarrier.arrive $0xFFFF  }
0xda: {  	p0 =	sne.s32 s0, $0x0;
	s0 =	rddreg [dreg:$0x3]  }
0xdb: {  	s0 =	sadd.s32 @!p0 $0x100000, s0  }
0xdc: {  	[sflag:s0] =	ssyncadd.tile.s32 @!p0 $0x1;
	_ =	shalt  }
.Lfunc_end2:
_tile_overlayer_lowered:
.L_overlay_start_2:
0xdd: {  	(tag) =	ssettag $0x2  }
0xde: {  	s0 =	rddreg [dreg:$0x0];
	s2 =	stileid.u32  }
0xdf: {  	s1 =	rddreg [dreg:$0x1];
	p0 =	sne.s32 s2, $0x0  }
0xe0: {  	s3 =	rddreg [dreg:$0x2];
	[bflag:$0x3] =	sbarrier.arrive $0xFFFF;
	s2 =	simm.s32 @!p0 $0x1C03  }
0xe1: {  	[timem:s3], [sflag:s2] =	dma.local @!p0 [hbm:s0], s1  }
0xe2: {  	s0 =	simm.s32 @!p0 $0x3  }
0xe3: {  	_ =	swait.ge @!p0 [sflag:s0], s1  }
0xe4: {  	s1 =	ssub.s32 @!p0 $0x0, s1;
	[sflag:s0] =	ssyncset.done @!p0 $0x0  }
0xe5: {  	[sflag:s0] =	ssyncadd.s32 @!p0 s1  }
0xe6: {  	[bflag:$0x3] =	sbarrier.arrive $0xFFFF  }
0xe7: {  	_ =	shalt  }

</sc_bundles>
